<compile_context>
chip_gen: v7x
topology: tpu7x:2x2x1
jax: 0.10.2.dev20260603
libtpu: 0.0.44.dev20260713+nightly
codegen_flags: <defaults>
</compile_context>

<pallas_src>
import functools

import jax
import jax.numpy as jnp
from jax import lax
from jax.experimental import pallas as pl
from jax.experimental.pallas import tpu as pltpu
from jax.experimental.pallas import tpu_sc as plsc

B, L, V, H = 1024, 200, 1000, 512
N_SPK, SPK_U = 128, 64
EPS = 1e-05

NC, NS = 2, 16
NW = NC * NS
TOKENS = B * L
PER_W = TOKENS // NW
CHUNK = 40
N_CHUNKS = PER_W // CHUNK
NBUF = 4
LAG = 2
FREE = NBUF - LAG
N_PAD = -(-N_CHUNKS // NBUF) * NBUF


def _prep_body(emb_ref, g_ref, b_ref, spk_ids_ref, spk_tab_ref, fc_w_ref,
               fc_b_ref, ln_out_ref, spk_out_ref):
    x = emb_ref[...]
    mean = jnp.mean(x, axis=1, keepdims=True)
    xc = x - mean
    var = jnp.mean(xc * xc, axis=1, keepdims=True)
    ln_out_ref[...] = (xc * lax.rsqrt(var + EPS) * g_ref[0, :][None, :]
                       + b_ref[0, :][None, :])
    sid = spk_ids_ref[...]
    onehot = (sid == lax.broadcasted_iota(jnp.int32, (B, N_SPK), 1))
    se = jnp.dot(onehot.astype(jnp.float32), spk_tab_ref[...],
                 preferred_element_type=jnp.float32)
    feat = jnp.dot(se, fc_w_ref[...], preferred_element_type=jnp.float32)
    feat = feat + fc_b_ref[0, :][None, :]
    spk_out_ref[...] = jax.nn.softplus(feat)


_prep = pl.pallas_call(
    _prep_body,
    out_shape=[
        jax.ShapeDtypeStruct((V, H), jnp.float32),
        jax.ShapeDtypeStruct((B, H), jnp.float32),
    ],
)


_sc_mesh = plsc.VectorSubcoreMesh(core_axis_name="c", subcore_axis_name="s")


@functools.partial(
    pl.kernel,
    out_type=jax.ShapeDtypeStruct((TOKENS, H), jnp.float32),
    mesh=_sc_mesh,
    scratch_types=(
        [pltpu.VMEM((PER_W,), jnp.int32)]
        + [pltpu.VMEM((CHUNK, H), jnp.float32)] * NBUF
        + [pltpu.SemaphoreType.DMA] * (2 * NBUF)
    ),
)
def _sc_gather(table_hbm, idx_hbm, out_hbm, idx_v, *bufs_and_sems):
    bufs = bufs_and_sems[:NBUF]
    gsems = bufs_and_sems[NBUF:2 * NBUF]
    osems = bufs_and_sems[2 * NBUF:]
    sid = lax.axis_index("s")
    wid = sid * NC + lax.axis_index("c")
    base = pl.multiple_of(wid * PER_W, PER_W)
    pltpu.sync_copy(idx_hbm.at[pl.ds(base, PER_W)], idx_v)

    def gat(c, b):
        off = pl.multiple_of(c * CHUNK, CHUNK)
        return pltpu.make_async_copy(
            table_hbm.at[idx_v.at[pl.ds(off, CHUNK)]], bufs[b], gsems[b])

    def put(c, b):
        off = pl.multiple_of(c * CHUNK, CHUNK)
        return pltpu.make_async_copy(bufs[b],
                                     out_hbm.at[pl.ds(base + off, CHUNK)],
                                     osems[b])

    for b in range(LAG):
        gat(b, b).start()

    @pl.loop(0, N_PAD, step=NBUF)
    def _(j):
        for b in range(NBUF):
            c = j + b

            @pl.when(c < N_CHUNKS)
            def _():
                gat(c, b).wait()
                put(c, b).start()
                nb = (b + LAG) % NBUF
                cw = c - FREE

                @pl.when(cw >= 0)
                def _():
                    put(cw, nb).wait()

                cg = c + LAG

                @pl.when(cg < N_CHUNKS)
                def _():
                    gat(cg, nb).start()

    for k in range(N_CHUNKS - FREE, N_CHUNKS):
        put(k, k % NBUF).wait()


def kernel(input_ids, speaker_ids, char_emb, spk_table, fc_w, fc_b, ln_gamma,
           ln_beta):
    ln_table, spk_feat = _prep(char_emb, ln_gamma.reshape(1, H),
                               ln_beta.reshape(1, H), speaker_ids, spk_table,
                               fc_w, fc_b.reshape(1, H))
    flat = _sc_gather(ln_table, input_ids.reshape(TOKENS))
    return flat.reshape(B, L, H), spk_feat.reshape(B, 1, H)

# --- scband reference (transcript-rebuilt; emitter-appended) ---
"""Pipeline reference for scband-tftacotron-embeddings-7593502179699 (READ-ONLY COPY).

The authoritative reference and input builder live on the scoring server;
editing this copy changes nothing except your own understanding.
"""

import jax, jax.numpy as jnp
import numpy as np

B, L, V, H = 1024, 200, 1000, 512
N_SPK, SPK_U = 128, 64
EPS = 1e-05


def setup_inputs(seed: int = 0) -> dict:
    key = jax.random.key(seed)
    k1, k2, k3, k4, k5, k6 = jax.random.split(key, 6)
    input_ids = jax.random.randint(k1, (B, L), 0, V, dtype=jnp.int32)
    speaker_ids = jax.random.randint(k2, (B, 1), 0, N_SPK, dtype=jnp.int32)
    char_emb = jax.random.normal(k3, (V, H), dtype=jnp.float32) * 0.02
    spk_table = jax.random.normal(k4, (N_SPK, SPK_U), dtype=jnp.float32) * 0.02
    fc_w = jax.random.normal(k5, (SPK_U, H), dtype=jnp.float32) * 0.02
    fc_b = jnp.zeros((H,), dtype=jnp.float32)
    ln_gamma = jnp.ones((H,), dtype=jnp.float32)
    ln_beta = jnp.zeros((H,), dtype=jnp.float32)
    return {"input_ids": input_ids, "speaker_ids": speaker_ids, "char_emb": char_emb,
            "spk_table": spk_table, "fc_w": fc_w, "fc_b": fc_b,
            "ln_gamma": ln_gamma, "ln_beta": ln_beta}


def _layer_norm(x, gamma, beta, eps):
    mean = jnp.mean(x, axis=-1, keepdims=True)
    var = jnp.mean(jnp.square(x - mean), axis=-1, keepdims=True)
    return (x - mean) / jnp.sqrt(var + eps) * gamma + beta


def reference(input_ids, speaker_ids, char_emb, spk_table, fc_w, fc_b, ln_gamma, ln_beta):
    # character embedding gather: [B, L, H]
    inputs_embeds = jnp.take(char_emb, input_ids, axis=0)
    # speaker embedding gather: [B, 1, SPK_U]
    speaker_embeddings = jnp.take(spk_table, speaker_ids, axis=0)
    # mean over axis 1, keepdims -> [B, 1, SPK_U]
    speaker_embeddings = jnp.mean(speaker_embeddings, axis=1, keepdims=True)
    # dense + softplus -> [B, 1, H]
    speaker_features = jax.nn.softplus(jnp.dot(speaker_embeddings, fc_w) + fc_b)
    # layernorm on char embeddings (dropout is a no-op at inference)
    embeddings = _layer_norm(inputs_embeds, ln_gamma, ln_beta, EPS)
    return (embeddings, speaker_features)

if __name__ == "__main__":
    import jax
    _d = setup_inputs()
    print(jax.jit(kernel)(*tuple(_d.values())))

</pallas_src>

<mosaic_0001>
#map = affine_map<(d0, d1) -> (0, 0)>
#map1 = affine_map<(d0, d1) -> (0)>
module attributes {stable_mosaic.version = 14 : i64} {
  func.func @_sc_gather(%arg0: i32, %arg1: i32, %arg2: memref<1000x512xf32, #tpu.memory_space<hbm>>, %arg3: memref<204800xi32, #tpu.memory_space<hbm>>, %arg4: memref<204800x512xf32, #tpu.memory_space<hbm>>, %arg5: memref<6400xi32, #tpu.memory_space<vmem>>, %arg6: memref<40x512xf32, #tpu.memory_space<vmem>>, %arg7: memref<40x512xf32, #tpu.memory_space<vmem>>, %arg8: memref<40x512xf32, #tpu.memory_space<vmem>>, %arg9: memref<40x512xf32, #tpu.memory_space<vmem>>, %arg10: memref<!tpu.dma_semaphore, #tpu.memory_space<semaphore_mem>>, %arg11: memref<!tpu.dma_semaphore, #tpu.memory_space<semaphore_mem>>, %arg12: memref<!tpu.dma_semaphore, #tpu.memory_space<semaphore_mem>>, %arg13: memref<!tpu.dma_semaphore, #tpu.memory_space<semaphore_mem>>, %arg14: memref<!tpu.dma_semaphore, #tpu.memory_space<semaphore_mem>>, %arg15: memref<!tpu.dma_semaphore, #tpu.memory_space<semaphore_mem>>, %arg16: memref<!tpu.dma_semaphore, #tpu.memory_space<semaphore_mem>>, %arg17: memref<!tpu.dma_semaphore, #tpu.memory_space<semaphore_mem>>) attributes {dimension_semantics = [#tpu.dimension_semantics<core_parallel>, #tpu.dimension_semantics<subcore_parallel>], iteration_bounds = array<i64: 2, 16>, scalar_prefetch = 0 : i64, scratch_operands = 13 : i64, tpu.core_type = #tpu.core_type<sc_vector_subcore>, window_params = [{transform_indices = #map}, {transform_indices = #map1}, {transform_indices = #map}]} {
    %mul3A = arith.constant 2 : i32
    %mul3A_0 = arith.muli %arg1, %mul3A : i32
    %add3A = arith.addi %mul3A_0, %arg0 : i32
    %mul3A_1 = arith.constant 6400 : i32
    %mul3A_2 = arith.muli %add3A, %mul3A_1 : i32
    %multiple_of3A = tpu.assume_multiple %mul3A_2, 6400 : i32
    "tpu.region"() ({
      %run_scoped3A = tpu.sem_alloc : memref<!tpu.dma_semaphore, #tpu.memory_space<semaphore_mem>>
      %dma_start3A_31 = tpu.memref_slice %arg3[%multiple_of3A] : memref<204800xi32, #tpu.memory_space<hbm>> -> memref<6400xi32, #tpu.memory_space<hbm>>
      %dma_start3A_32 = tpu.memref_slice %arg3[%multiple_of3A] : memref<204800xi32, #tpu.memory_space<hbm>> -> memref<6400xi32, #tpu.memory_space<hbm>>
      tpu.enqueue_dma source(%dma_start3A_32 : memref<6400xi32, #tpu.memory_space<hbm>>) target(%arg5 : memref<6400xi32, #tpu.memory_space<vmem>>) target_semaphore(%run_scoped3A : memref<!tpu.dma_semaphore, #tpu.memory_space<semaphore_mem>>)
      %dma_wait3A_33 = tpu.memref_slice %arg3[%multiple_of3A] : memref<204800xi32, #tpu.memory_space<hbm>> -> memref<6400xi32, #tpu.memory_space<hbm>>
      %dma_wait3A_34 = tpu.memref_slice %arg3[%multiple_of3A] : memref<204800xi32, #tpu.memory_space<hbm>> -> memref<6400xi32, #tpu.memory_space<hbm>>
      tpu.wait_dma2 semaphore(%run_scoped3A : memref<!tpu.dma_semaphore, #tpu.memory_space<semaphore_mem>>) src(%dma_wait3A_34 : memref<6400xi32, #tpu.memory_space<hbm>>) dst(%arg5 : memref<6400xi32, #tpu.memory_space<vmem>>)
      tpu.yield
    }) : () -> ()
    %multiple_of3A_3 = arith.constant 0 : i32
    %multiple_of3A_4 = tpu.assume_multiple %multiple_of3A_3, 40 : i32
    %dma_start3A = tpu.memref_slice %arg5[%multiple_of3A_4] : memref<6400xi32, #tpu.memory_space<vmem>> -> memref<40xi32, #tpu.memory_space<vmem>>
    %dma_start3A_5 = arith.constant 0 : i32
    %dma_start3A_6 = arith.constant 0 : i32
    %dma_start3A_7 = tpu.memref_slice %arg2[%dma_start3A_5, %dma_start3A_6] : memref<1000x512xf32, #tpu.memory_space<hbm>> -> memref<1000x512xf32, #tpu.memory_space<hbm>>
    tpu.enqueue_indirect_dma source(%dma_start3A_7 : memref<1000x512xf32, #tpu.memory_space<hbm>>) target(%arg6 : memref<40x512xf32, #tpu.memory_space<vmem>>) offsets(%dma_start3A : memref<40xi32, #tpu.memory_space<vmem>>) semaphore(%arg10 : memref<!tpu.dma_semaphore, #tpu.memory_space<semaphore_mem>>)
    %multiple_of3A_8 = arith.constant 40 : i32
    %multiple_of3A_9 = tpu.assume_multiple %multiple_of3A_8, 40 : i32
    %dma_start3A_10 = tpu.memref_slice %arg5[%multiple_of3A_9] : memref<6400xi32, #tpu.memory_space<vmem>> -> memref<40xi32, #tpu.memory_space<vmem>>
    %dma_start3A_11 = arith.constant 0 : i32
    %dma_start3A_12 = arith.constant 0 : i32
    %dma_start3A_13 = tpu.memref_slice %arg2[%dma_start3A_11, %dma_start3A_12] : memref<1000x512xf32, #tpu.memory_space<hbm>> -> memref<1000x512xf32, #tpu.memory_space<hbm>>
    tpu.enqueue_indirect_dma source(%dma_start3A_13 : memref<1000x512xf32, #tpu.memory_space<hbm>>) target(%arg7 : memref<40x512xf32, #tpu.memory_space<vmem>>) offsets(%dma_start3A_10 : memref<40xi32, #tpu.memory_space<vmem>>) semaphore(%arg11 : memref<!tpu.dma_semaphore, #tpu.memory_space<semaphore_mem>>)
    %scan3A = arith.constant 0 : i32
    %scan3A_14 = arith.constant 40 : i32
    %scan3A_15 = arith.addi %scan3A, %scan3A_14 : i32
    %scan3A_16 = arith.constant 1 : i32
    scf.for %scan3A_31 = %scan3A to %scan3A_15 step %scan3A_16  : i32 {
      %mul3A_32 = arith.constant 4 : i32
      %mul3A_33 = arith.muli %scan3A_31, %mul3A_32 : i32
      %add3A_34 = arith.constant 0 : i32
      %add3A_35 = arith.addi %add3A_34, %mul3A_33 : i32
      %add3A_36 = arith.constant 0 : i32
      %add3A_37 = arith.addi %add3A_35, %add3A_36 : i32
      %lt3A = arith.constant 160 : i32
      %lt3A_38 = arith.cmpi slt, %add3A_37, %lt3A : i32
      %convert_element_type3A = arith.extui %lt3A_38 : i1 to i32
      %cond3A = arith.constant 0 : i32
      %cond3A_39 = arith.cmpi ne, %convert_element_type3A, %cond3A : i32
      scf.if %cond3A_39 {
        %mul3A_61 = arith.constant 40 : i32
        %mul3A_62 = arith.muli %add3A_37, %mul3A_61 : i32
        %multiple_of3A_63 = tpu.assume_multiple %mul3A_62, 40 : i32
        %dma_wait3A_64 = tpu.memref_slice %arg5[%multiple_of3A_63] : memref<6400xi32, #tpu.memory_space<vmem>> -> memref<40xi32, #tpu.memory_space<vmem>>
        %dma_wait3A_65 = arith.constant 0 : i32
        %dma_wait3A_66 = arith.constant 0 : i32
        %dma_wait3A_67 = tpu.memref_slice %arg2[%dma_wait3A_65, %dma_wait3A_66] : memref<1000x512xf32, #tpu.memory_space<hbm>> -> memref<1000x512xf32, #tpu.memory_space<hbm>>
        tpu.wait_indirect_dma semaphore(%arg10 : memref<!tpu.dma_semaphore, #tpu.memory_space<semaphore_mem>>) src(%dma_wait3A_67 : memref<1000x512xf32, #tpu.memory_space<hbm>>) dst(%arg6 : memref<40x512xf32, #tpu.memory_space<vmem>>)
        %mul3A_68 = arith.constant 40 : i32
        %mul3A_69 = arith.muli %add3A_37, %mul3A_68 : i32
        %multiple_of3A_70 = tpu.assume_multiple %mul3A_69, 40 : i32
        %add3A_71 = arith.addi %multiple_of3A, %multiple_of3A_70 : i32
        %dma_start3A_72 = arith.constant 0 : i32
        %dma_start3A_73 = tpu.memref_slice %arg4[%add3A_71, %dma_start3A_72] : memref<204800x512xf32, #tpu.memory_space<hbm>> -> memref<40x512xf32, #tpu.memory_space<hbm>>
        %dma_start3A_74 = arith.constant 0 : i32
        %dma_start3A_75 = tpu.memref_slice %arg4[%add3A_71, %dma_start3A_74] : memref<204800x512xf32, #tpu.memory_space<hbm>> -> memref<40x512xf32, #tpu.memory_space<hbm>>
        tpu.enqueue_dma source(%arg6 : memref<40x512xf32, #tpu.memory_space<vmem>>) target(%dma_start3A_75 : memref<40x512xf32, #tpu.memory_space<hbm>>) target_semaphore(%arg14 : memref<!tpu.dma_semaphore, #tpu.memory_space<semaphore_mem>>)
        %sub3A = arith.constant 2 : i32
        %sub3A_76 = arith.subi %add3A_37, %sub3A : i32
        %ge3A = arith.constant 0 : i32
        %ge3A_77 = arith.cmpi sge, %sub3A_76, %ge3A : i32
        %convert_element_type3A_78 = arith.extui %ge3A_77 : i1 to i32
        %cond3A_79 = arith.constant 0 : i32
        %cond3A_80 = arith.cmpi ne, %convert_element_type3A_78, %cond3A_79 : i32
        scf.if %cond3A_80 {
          %mul3A_88 = arith.constant 40 : i32
          %mul3A_89 = arith.muli %sub3A_76, %mul3A_88 : i32
          %multiple_of3A_90 = tpu.assume_multiple %mul3A_89, 40 : i32
          %add3A_91 = arith.addi %multiple_of3A, %multiple_of3A_90 : i32
          %dma_wait3A_92 = arith.constant 0 : i32
          %dma_wait3A_93 = tpu.memref_slice %arg4[%add3A_91, %dma_wait3A_92] : memref<204800x512xf32, #tpu.memory_space<hbm>> -> memref<40x512xf32, #tpu.memory_space<hbm>>
          %dma_wait3A_94 = arith.constant 0 : i32
          %dma_wait3A_95 = tpu.memref_slice %arg4[%add3A_91, %dma_wait3A_94] : memref<204800x512xf32, #tpu.memory_space<hbm>> -> memref<40x512xf32, #tpu.memory_space<hbm>>
          tpu.wait_dma2 semaphore(%arg16 : memref<!tpu.dma_semaphore, #tpu.memory_space<semaphore_mem>>) src(%arg8 : memref<40x512xf32, #tpu.memory_space<vmem>>) dst(%dma_wait3A_95 : memref<40x512xf32, #tpu.memory_space<hbm>>)
        } else {
        }
        %add3A_81 = arith.constant 2 : i32
        %add3A_82 = arith.addi %add3A_37, %add3A_81 : i32
        %lt3A_83 = arith.constant 160 : i32
        %lt3A_84 = arith.cmpi slt, %add3A_82, %lt3A_83 : i32
        %convert_element_type3A_85 = arith.extui %lt3A_84 : i1 to i32
        %cond3A_86 = arith.constant 0 : i32
        %cond3A_87 = arith.cmpi ne, %convert_element_type3A_85, %cond3A_86 : i32
        scf.if %cond3A_87 {
          %mul3A_88 = arith.constant 40 : i32
          %mul3A_89 = arith.muli %add3A_82, %mul3A_88 : i32
          %multiple_of3A_90 = tpu.assume_multiple %mul3A_89, 40 : i32
          %dma_start3A_91 = tpu.memref_slice %arg5[%multiple_of3A_90] : memref<6400xi32, #tpu.memory_space<vmem>> -> memref<40xi32, #tpu.memory_space<vmem>>
          %dma_start3A_92 = arith.constant 0 : i32
          %dma_start3A_93 = arith.constant 0 : i32
          %dma_start3A_94 = tpu.memref_slice %arg2[%dma_start3A_92, %dma_start3A_93] : memref<1000x512xf32, #tpu.memory_space<hbm>> -> memref<1000x512xf32, #tpu.memory_space<hbm>>
          tpu.enqueue_indirect_dma source(%dma_start3A_94 : memref<1000x512xf32, #tpu.memory_space<hbm>>) target(%arg8 : memref<40x512xf32, #tpu.memory_space<vmem>>) offsets(%dma_start3A_91 : memref<40xi32, #tpu.memory_space<vmem>>) semaphore(%arg12 : memref<!tpu.dma_semaphore, #tpu.memory_space<semaphore_mem>>)
        } else {
        }
      } else {
      }
      %add3A_40 = arith.constant 1 : i32
      %add3A_41 = arith.addi %add3A_35, %add3A_40 : i32
      %lt3A_42 = arith.constant 160 : i32
      %lt3A_43 = arith.cmpi slt, %add3A_41, %lt3A_42 : i32
      %convert_element_type3A_44 = arith.extui %lt3A_43 : i1 to i32
      %cond3A_45 = arith.constant 0 : i32
      %cond3A_46 = arith.cmpi ne, %convert_element_type3A_44, %cond3A_45 : i32
      scf.if %cond3A_46 {
        %mul3A_61 = arith.constant 40 : i32
        %mul3A_62 = arith.muli %add3A_41, %mul3A_61 : i32
        %multiple_of3A_63 = tpu.assume_multiple %mul3A_62, 40 : i32
        %dma_wait3A_64 = tpu.memref_slice %arg5[%multiple_of3A_63] : memref<6400xi32, #tpu.memory_space<vmem>> -> memref<40xi32, #tpu.memory_space<vmem>>
        %dma_wait3A_65 = arith.constant 0 : i32
        %dma_wait3A_66 = arith.constant 0 : i32
        %dma_wait3A_67 = tpu.memref_slice %arg2[%dma_wait3A_65, %dma_wait3A_66] : memref<1000x512xf32, #tpu.memory_space<hbm>> -> memref<1000x512xf32, #tpu.memory_space<hbm>>
        tpu.wait_indirect_dma semaphore(%arg11 : memref<!tpu.dma_semaphore, #tpu.memory_space<semaphore_mem>>) src(%dma_wait3A_67 : memref<1000x512xf32, #tpu.memory_space<hbm>>) dst(%arg7 : memref<40x512xf32, #tpu.memory_space<vmem>>)
        %mul3A_68 = arith.constant 40 : i32
        %mul3A_69 = arith.muli %add3A_41, %mul3A_68 : i32
        %multiple_of3A_70 = tpu.assume_multiple %mul3A_69, 40 : i32
        %add3A_71 = arith.addi %multiple_of3A, %multiple_of3A_70 : i32
        %dma_start3A_72 = arith.constant 0 : i32
        %dma_start3A_73 = tpu.memref_slice %arg4[%add3A_71, %dma_start3A_72] : memref<204800x512xf32, #tpu.memory_space<hbm>> -> memref<40x512xf32, #tpu.memory_space<hbm>>
        %dma_start3A_74 = arith.constant 0 : i32
        %dma_start3A_75 = tpu.memref_slice %arg4[%add3A_71, %dma_start3A_74] : memref<204800x512xf32, #tpu.memory_space<hbm>> -> memref<40x512xf32, #tpu.memory_space<hbm>>
        tpu.enqueue_dma source(%arg7 : memref<40x512xf32, #tpu.memory_space<vmem>>) target(%dma_start3A_75 : memref<40x512xf32, #tpu.memory_space<hbm>>) target_semaphore(%arg15 : memref<!tpu.dma_semaphore, #tpu.memory_space<semaphore_mem>>)
        %sub3A = arith.constant 2 : i32
        %sub3A_76 = arith.subi %add3A_41, %sub3A : i32
        %ge3A = arith.constant 0 : i32
        %ge3A_77 = arith.cmpi sge, %sub3A_76, %ge3A : i32
        %convert_element_type3A_78 = arith.extui %ge3A_77 : i1 to i32
        %cond3A_79 = arith.constant 0 : i32
        %cond3A_80 = arith.cmpi ne, %convert_element_type3A_78, %cond3A_79 : i32
        scf.if %cond3A_80 {
          %mul3A_88 = arith.constant 40 : i32
          %mul3A_89 = arith.muli %sub3A_76, %mul3A_88 : i32
          %multiple_of3A_90 = tpu.assume_multiple %mul3A_89, 40 : i32
          %add3A_91 = arith.addi %multiple_of3A, %multiple_of3A_90 : i32
          %dma_wait3A_92 = arith.constant 0 : i32
          %dma_wait3A_93 = tpu.memref_slice %arg4[%add3A_91, %dma_wait3A_92] : memref<204800x512xf32, #tpu.memory_space<hbm>> -> memref<40x512xf32, #tpu.memory_space<hbm>>
          %dma_wait3A_94 = arith.constant 0 : i32
          %dma_wait3A_95 = tpu.memref_slice %arg4[%add3A_91, %dma_wait3A_94] : memref<204800x512xf32, #tpu.memory_space<hbm>> -> memref<40x512xf32, #tpu.memory_space<hbm>>
          tpu.wait_dma2 semaphore(%arg17 : memref<!tpu.dma_semaphore, #tpu.memory_space<semaphore_mem>>) src(%arg9 : memref<40x512xf32, #tpu.memory_space<vmem>>) dst(%dma_wait3A_95 : memref<40x512xf32, #tpu.memory_space<hbm>>)
        } else {
        }
        %add3A_81 = arith.constant 2 : i32
        %add3A_82 = arith.addi %add3A_41, %add3A_81 : i32
        %lt3A_83 = arith.constant 160 : i32
        %lt3A_84 = arith.cmpi slt, %add3A_82, %lt3A_83 : i32
        %convert_element_type3A_85 = arith.extui %lt3A_84 : i1 to i32
        %cond3A_86 = arith.constant 0 : i32
        %cond3A_87 = arith.cmpi ne, %convert_element_type3A_85, %cond3A_86 : i32
        scf.if %cond3A_87 {
          %mul3A_88 = arith.constant 40 : i32
          %mul3A_89 = arith.muli %add3A_82, %mul3A_88 : i32
          %multiple_of3A_90 = tpu.assume_multiple %mul3A_89, 40 : i32
          %dma_start3A_91 = tpu.memref_slice %arg5[%multiple_of3A_90] : memref<6400xi32, #tpu.memory_space<vmem>> -> memref<40xi32, #tpu.memory_space<vmem>>
          %dma_start3A_92 = arith.constant 0 : i32
          %dma_start3A_93 = arith.constant 0 : i32
          %dma_start3A_94 = tpu.memref_slice %arg2[%dma_start3A_92, %dma_start3A_93] : memref<1000x512xf32, #tpu.memory_space<hbm>> -> memref<1000x512xf32, #tpu.memory_space<hbm>>
          tpu.enqueue_indirect_dma source(%dma_start3A_94 : memref<1000x512xf32, #tpu.memory_space<hbm>>) target(%arg9 : memref<40x512xf32, #tpu.memory_space<vmem>>) offsets(%dma_start3A_91 : memref<40xi32, #tpu.memory_space<vmem>>) semaphore(%arg13 : memref<!tpu.dma_semaphore, #tpu.memory_space<semaphore_mem>>)
        } else {
        }
      } else {
      }
      %add3A_47 = arith.constant 2 : i32
      %add3A_48 = arith.addi %add3A_35, %add3A_47 : i32
      %lt3A_49 = arith.constant 160 : i32
      %lt3A_50 = arith.cmpi slt, %add3A_48, %lt3A_49 : i32
      %convert_element_type3A_51 = arith.extui %lt3A_50 : i1 to i32
      %cond3A_52 = arith.constant 0 : i32
      %cond3A_53 = arith.cmpi ne, %convert_element_type3A_51, %cond3A_52 : i32
      scf.if %cond3A_53 {
        %mul3A_61 = arith.constant 40 : i32
        %mul3A_62 = arith.muli %add3A_48, %mul3A_61 : i32
        %multiple_of3A_63 = tpu.assume_multiple %mul3A_62, 40 : i32
        %dma_wait3A_64 = tpu.memref_slice %arg5[%multiple_of3A_63] : memref<6400xi32, #tpu.memory_space<vmem>> -> memref<40xi32, #tpu.memory_space<vmem>>
        %dma_wait3A_65 = arith.constant 0 : i32
        %dma_wait3A_66 = arith.constant 0 : i32
        %dma_wait3A_67 = tpu.memref_slice %arg2[%dma_wait3A_65, %dma_wait3A_66] : memref<1000x512xf32, #tpu.memory_space<hbm>> -> memref<1000x512xf32, #tpu.memory_space<hbm>>
        tpu.wait_indirect_dma semaphore(%arg12 : memref<!tpu.dma_semaphore, #tpu.memory_space<semaphore_mem>>) src(%dma_wait3A_67 : memref<1000x512xf32, #tpu.memory_space<hbm>>) dst(%arg8 : memref<40x512xf32, #tpu.memory_space<vmem>>)
        %mul3A_68 = arith.constant 40 : i32
        %mul3A_69 = arith.muli %add3A_48, %mul3A_68 : i32
        %multiple_of3A_70 = tpu.assume_multiple %mul3A_69, 40 : i32
        %add3A_71 = arith.addi %multiple_of3A, %multiple_of3A_70 : i32
        %dma_start3A_72 = arith.constant 0 : i32
        %dma_start3A_73 = tpu.memref_slice %arg4[%add3A_71, %dma_start3A_72] : memref<204800x512xf32, #tpu.memory_space<hbm>> -> memref<40x512xf32, #tpu.memory_space<hbm>>
        %dma_start3A_74 = arith.constant 0 : i32
        %dma_start3A_75 = tpu.memref_slice %arg4[%add3A_71, %dma_start3A_74] : memref<204800x512xf32, #tpu.memory_space<hbm>> -> memref<40x512xf32, #tpu.memory_space<hbm>>
        tpu.enqueue_dma source(%arg8 : memref<40x512xf32, #tpu.memory_space<vmem>>) target(%dma_start3A_75 : memref<40x512xf32, #tpu.memory_space<hbm>>) target_semaphore(%arg16 : memref<!tpu.dma_semaphore, #tpu.memory_space<semaphore_mem>>)
        %sub3A = arith.constant 2 : i32
        %sub3A_76 = arith.subi %add3A_48, %sub3A : i32
        %ge3A = arith.constant 0 : i32
        %ge3A_77 = arith.cmpi sge, %sub3A_76, %ge3A : i32
        %convert_element_type3A_78 = arith.extui %ge3A_77 : i1 to i32
        %cond3A_79 = arith.constant 0 : i32
        %cond3A_80 = arith.cmpi ne, %convert_element_type3A_78, %cond3A_79 : i32
        scf.if %cond3A_80 {
          %mul3A_88 = arith.constant 40 : i32
          %mul3A_89 = arith.muli %sub3A_76, %mul3A_88 : i32
          %multiple_of3A_90 = tpu.assume_multiple %mul3A_89, 40 : i32
          %add3A_91 = arith.addi %multiple_of3A, %multiple_of3A_90 : i32
          %dma_wait3A_92 = arith.constant 0 : i32
          %dma_wait3A_93 = tpu.memref_slice %arg4[%add3A_91, %dma_wait3A_92] : memref<204800x512xf32, #tpu.memory_space<hbm>> -> memref<40x512xf32, #tpu.memory_space<hbm>>
          %dma_wait3A_94 = arith.constant 0 : i32
          %dma_wait3A_95 = tpu.memref_slice %arg4[%add3A_91, %dma_wait3A_94] : memref<204800x512xf32, #tpu.memory_space<hbm>> -> memref<40x512xf32, #tpu.memory_space<hbm>>
          tpu.wait_dma2 semaphore(%arg14 : memref<!tpu.dma_semaphore, #tpu.memory_space<semaphore_mem>>) src(%arg6 : memref<40x512xf32, #tpu.memory_space<vmem>>) dst(%dma_wait3A_95 : memref<40x512xf32, #tpu.memory_space<hbm>>)
        } else {
        }
        %add3A_81 = arith.constant 2 : i32
        %add3A_82 = arith.addi %add3A_48, %add3A_81 : i32
        %lt3A_83 = arith.constant 160 : i32
        %lt3A_84 = arith.cmpi slt, %add3A_82, %lt3A_83 : i32
        %convert_element_type3A_85 = arith.extui %lt3A_84 : i1 to i32
        %cond3A_86 = arith.constant 0 : i32
        %cond3A_87 = arith.cmpi ne, %convert_element_type3A_85, %cond3A_86 : i32
        scf.if %cond3A_87 {
          %mul3A_88 = arith.constant 40 : i32
          %mul3A_89 = arith.muli %add3A_82, %mul3A_88 : i32
          %multiple_of3A_90 = tpu.assume_multiple %mul3A_89, 40 : i32
          %dma_start3A_91 = tpu.memref_slice %arg5[%multiple_of3A_90] : memref<6400xi32, #tpu.memory_space<vmem>> -> memref<40xi32, #tpu.memory_space<vmem>>
          %dma_start3A_92 = arith.constant 0 : i32
          %dma_start3A_93 = arith.constant 0 : i32
          %dma_start3A_94 = tpu.memref_slice %arg2[%dma_start3A_92, %dma_start3A_93] : memref<1000x512xf32, #tpu.memory_space<hbm>> -> memref<1000x512xf32, #tpu.memory_space<hbm>>
          tpu.enqueue_indirect_dma source(%dma_start3A_94 : memref<1000x512xf32, #tpu.memory_space<hbm>>) target(%arg6 : memref<40x512xf32, #tpu.memory_space<vmem>>) offsets(%dma_start3A_91 : memref<40xi32, #tpu.memory_space<vmem>>) semaphore(%arg10 : memref<!tpu.dma_semaphore, #tpu.memory_space<semaphore_mem>>)
        } else {
        }
      } else {
      }
      %add3A_54 = arith.constant 3 : i32
      %add3A_55 = arith.addi %add3A_35, %add3A_54 : i32
      %lt3A_56 = arith.constant 160 : i32
      %lt3A_57 = arith.cmpi slt, %add3A_55, %lt3A_56 : i32
      %convert_element_type3A_58 = arith.extui %lt3A_57 : i1 to i32
      %cond3A_59 = arith.constant 0 : i32
      %cond3A_60 = arith.cmpi ne, %convert_element_type3A_58, %cond3A_59 : i32
      scf.if %cond3A_60 {
        %mul3A_61 = arith.constant 40 : i32
        %mul3A_62 = arith.muli %add3A_55, %mul3A_61 : i32
        %multiple_of3A_63 = tpu.assume_multiple %mul3A_62, 40 : i32
        %dma_wait3A_64 = tpu.memref_slice %arg5[%multiple_of3A_63] : memref<6400xi32, #tpu.memory_space<vmem>> -> memref<40xi32, #tpu.memory_space<vmem>>
        %dma_wait3A_65 = arith.constant 0 : i32
        %dma_wait3A_66 = arith.constant 0 : i32
        %dma_wait3A_67 = tpu.memref_slice %arg2[%dma_wait3A_65, %dma_wait3A_66] : memref<1000x512xf32, #tpu.memory_space<hbm>> -> memref<1000x512xf32, #tpu.memory_space<hbm>>
        tpu.wait_indirect_dma semaphore(%arg13 : memref<!tpu.dma_semaphore, #tpu.memory_space<semaphore_mem>>) src(%dma_wait3A_67 : memref<1000x512xf32, #tpu.memory_space<hbm>>) dst(%arg9 : memref<40x512xf32, #tpu.memory_space<vmem>>)
        %mul3A_68 = arith.constant 40 : i32
        %mul3A_69 = arith.muli %add3A_55, %mul3A_68 : i32
        %multiple_of3A_70 = tpu.assume_multiple %mul3A_69, 40 : i32
        %add3A_71 = arith.addi %multiple_of3A, %multiple_of3A_70 : i32
        %dma_start3A_72 = arith.constant 0 : i32
        %dma_start3A_73 = tpu.memref_slice %arg4[%add3A_71, %dma_start3A_72] : memref<204800x512xf32, #tpu.memory_space<hbm>> -> memref<40x512xf32, #tpu.memory_space<hbm>>
        %dma_start3A_74 = arith.constant 0 : i32
        %dma_start3A_75 = tpu.memref_slice %arg4[%add3A_71, %dma_start3A_74] : memref<204800x512xf32, #tpu.memory_space<hbm>> -> memref<40x512xf32, #tpu.memory_space<hbm>>
        tpu.enqueue_dma source(%arg9 : memref<40x512xf32, #tpu.memory_space<vmem>>) target(%dma_start3A_75 : memref<40x512xf32, #tpu.memory_space<hbm>>) target_semaphore(%arg17 : memref<!tpu.dma_semaphore, #tpu.memory_space<semaphore_mem>>)
        %sub3A = arith.constant 2 : i32
        %sub3A_76 = arith.subi %add3A_55, %sub3A : i32
        %ge3A = arith.constant 0 : i32
        %ge3A_77 = arith.cmpi sge, %sub3A_76, %ge3A : i32
        %convert_element_type3A_78 = arith.extui %ge3A_77 : i1 to i32
        %cond3A_79 = arith.constant 0 : i32
        %cond3A_80 = arith.cmpi ne, %convert_element_type3A_78, %cond3A_79 : i32
        scf.if %cond3A_80 {
          %mul3A_88 = arith.constant 40 : i32
          %mul3A_89 = arith.muli %sub3A_76, %mul3A_88 : i32
          %multiple_of3A_90 = tpu.assume_multiple %mul3A_89, 40 : i32
          %add3A_91 = arith.addi %multiple_of3A, %multiple_of3A_90 : i32
          %dma_wait3A_92 = arith.constant 0 : i32
          %dma_wait3A_93 = tpu.memref_slice %arg4[%add3A_91, %dma_wait3A_92] : memref<204800x512xf32, #tpu.memory_space<hbm>> -> memref<40x512xf32, #tpu.memory_space<hbm>>
          %dma_wait3A_94 = arith.constant 0 : i32
          %dma_wait3A_95 = tpu.memref_slice %arg4[%add3A_91, %dma_wait3A_94] : memref<204800x512xf32, #tpu.memory_space<hbm>> -> memref<40x512xf32, #tpu.memory_space<hbm>>
          tpu.wait_dma2 semaphore(%arg15 : memref<!tpu.dma_semaphore, #tpu.memory_space<semaphore_mem>>) src(%arg7 : memref<40x512xf32, #tpu.memory_space<vmem>>) dst(%dma_wait3A_95 : memref<40x512xf32, #tpu.memory_space<hbm>>)
        } else {
        }
        %add3A_81 = arith.constant 2 : i32
        %add3A_82 = arith.addi %add3A_55, %add3A_81 : i32
        %lt3A_83 = arith.constant 160 : i32
        %lt3A_84 = arith.cmpi slt, %add3A_82, %lt3A_83 : i32
        %convert_element_type3A_85 = arith.extui %lt3A_84 : i1 to i32
        %cond3A_86 = arith.constant 0 : i32
        %cond3A_87 = arith.cmpi ne, %convert_element_type3A_85, %cond3A_86 : i32
        scf.if %cond3A_87 {
          %mul3A_88 = arith.constant 40 : i32
          %mul3A_89 = arith.muli %add3A_82, %mul3A_88 : i32
          %multiple_of3A_90 = tpu.assume_multiple %mul3A_89, 40 : i32
          %dma_start3A_91 = tpu.memref_slice %arg5[%multiple_of3A_90] : memref<6400xi32, #tpu.memory_space<vmem>> -> memref<40xi32, #tpu.memory_space<vmem>>
          %dma_start3A_92 = arith.constant 0 : i32
          %dma_start3A_93 = arith.constant 0 : i32
          %dma_start3A_94 = tpu.memref_slice %arg2[%dma_start3A_92, %dma_start3A_93] : memref<1000x512xf32, #tpu.memory_space<hbm>> -> memref<1000x512xf32, #tpu.memory_space<hbm>>
          tpu.enqueue_indirect_dma source(%dma_start3A_94 : memref<1000x512xf32, #tpu.memory_space<hbm>>) target(%arg7 : memref<40x512xf32, #tpu.memory_space<vmem>>) offsets(%dma_start3A_91 : memref<40xi32, #tpu.memory_space<vmem>>) semaphore(%arg11 : memref<!tpu.dma_semaphore, #tpu.memory_space<semaphore_mem>>)
        } else {
        }
      } else {
      }
    }
    %scan3A_17 = arith.constant 40 : i32
    %multiple_of3A_18 = arith.constant 6320 : i32
    %multiple_of3A_19 = tpu.assume_multiple %multiple_of3A_18, 40 : i32
    %add3A_20 = arith.addi %multiple_of3A, %multiple_of3A_19 : i32
    %dma_wait3A = arith.constant 0 : i32
    %dma_wait3A_21 = tpu.memref_slice %arg4[%add3A_20, %dma_wait3A] : memref<204800x512xf32, #tpu.memory_space<hbm>> -> memref<40x512xf32, #tpu.memory_space<hbm>>
    %dma_wait3A_22 = arith.constant 0 : i32
    %dma_wait3A_23 = tpu.memref_slice %arg4[%add3A_20, %dma_wait3A_22] : memref<204800x512xf32, #tpu.memory_space<hbm>> -> memref<40x512xf32, #tpu.memory_space<hbm>>
    tpu.wait_dma2 semaphore(%arg16 : memref<!tpu.dma_semaphore, #tpu.memory_space<semaphore_mem>>) src(%arg8 : memref<40x512xf32, #tpu.memory_space<vmem>>) dst(%dma_wait3A_23 : memref<40x512xf32, #tpu.memory_space<hbm>>)
    %multiple_of3A_24 = arith.constant 6360 : i32
    %multiple_of3A_25 = tpu.assume_multiple %multiple_of3A_24, 40 : i32
    %add3A_26 = arith.addi %multiple_of3A, %multiple_of3A_25 : i32
    %dma_wait3A_27 = arith.constant 0 : i32
    %dma_wait3A_28 = tpu.memref_slice %arg4[%add3A_26, %dma_wait3A_27] : memref<204800x512xf32, #tpu.memory_space<hbm>> -> memref<40x512xf32, #tpu.memory_space<hbm>>
    %dma_wait3A_29 = arith.constant 0 : i32
    %dma_wait3A_30 = tpu.memref_slice %arg4[%add3A_26, %dma_wait3A_29] : memref<204800x512xf32, #tpu.memory_space<hbm>> -> memref<40x512xf32, #tpu.memory_space<hbm>>
    tpu.wait_dma2 semaphore(%arg17 : memref<!tpu.dma_semaphore, #tpu.memory_space<semaphore_mem>>) src(%arg9 : memref<40x512xf32, #tpu.memory_space<vmem>>) dst(%dma_wait3A_30 : memref<40x512xf32, #tpu.memory_space<hbm>>)
    return
  }
}

module attributes {stable_mosaic.version = 14 : i64} {
  func.func @_prep_body(%arg0: memref<1000x512xf32, #tpu.memory_space<vmem>>, %arg1: memref<1x512xf32, #tpu.memory_space<vmem>>, %arg2: memref<1x512xf32, #tpu.memory_space<vmem>>, %arg3: memref<1024x1xi32, #tpu.memory_space<vmem>>, %arg4: memref<128x64xf32, #tpu.memory_space<vmem>>, %arg5: memref<64x512xf32, #tpu.memory_space<vmem>>, %arg6: memref<1x512xf32, #tpu.memory_space<vmem>>, %arg7: memref<1000x512xf32, #tpu.memory_space<vmem>>, %arg8: memref<1024x512xf32, #tpu.memory_space<vmem>>) attributes {dimension_semantics = [], scalar_prefetch = 0 : i64, scratch_operands = 0 : i64, tpu.core_type = #tpu.core_type<tc>} {
    %get3A = arith.constant 0 : index
    %get3A_0 = arith.constant 0 : index
    %get3A_1 = vector.load %arg0[%get3A, %get3A_0] : memref<1000x512xf32, #tpu.memory_space<vmem>>, vector<1000x512xf32>
    %reduce_sum3A = arith.constant dense<0.000000e+00> : vector<1000xf32>
    %reduce_sum3A_2 = vector.multi_reduction <add>, %get3A_1, %reduce_sum3A [1] : vector<1000x512xf32> to vector<1000xf32>
    %broadcast_in_dim3A = vector.shape_cast %reduce_sum3A_2 : vector<1000xf32> to vector<1000x1xf32>
    %div3A = arith.constant 5.120000e+02 : f32
    %div3A_3 = vector.broadcast %div3A : f32 to vector<1000x1xf32>
    %div3A_4 = arith.divf %broadcast_in_dim3A, %div3A_3 : vector<1000x1xf32>
    %sub3A = vector.broadcast %div3A_4 : vector<1000x1xf32> to vector<1000x512xf32>
    %sub3A_5 = arith.subf %get3A_1, %sub3A : vector<1000x512xf32>
    %mul3A = arith.mulf %sub3A_5, %sub3A_5 : vector<1000x512xf32>
    %reduce_sum3A_6 = arith.constant dense<0.000000e+00> : vector<1000xf32>
    %reduce_sum3A_7 = vector.multi_reduction <add>, %mul3A, %reduce_sum3A_6 [1] : vector<1000x512xf32> to vector<1000xf32>
    %broadcast_in_dim3A_8 = vector.shape_cast %reduce_sum3A_7 : vector<1000xf32> to vector<1000x1xf32>
    %div3A_9 = arith.constant 5.120000e+02 : f32
    %div3A_10 = vector.broadcast %div3A_9 : f32 to vector<1000x1xf32>
    %div3A_11 = arith.divf %broadcast_in_dim3A_8, %div3A_10 : vector<1000x1xf32>
    %add3A = arith.constant 9.99999974E-6 : f32
    %add3A_12 = vector.broadcast %add3A : f32 to vector<1000x1xf32>
    %add3A_13 = arith.addf %div3A_11, %add3A_12 : vector<1000x1xf32>
    %rsqrt3A = math.rsqrt %add3A_13 : vector<1000x1xf32>
    %mul3A_14 = vector.broadcast %rsqrt3A : vector<1000x1xf32> to vector<1000x512xf32>
    %mul3A_15 = arith.mulf %sub3A_5, %mul3A_14 : vector<1000x512xf32>
    %get3A_16 = arith.constant 0 : index
    %get3A_17 = arith.constant 0 : index
    %get3A_18 = vector.load %arg1[%get3A_16, %get3A_17] : memref<1x512xf32, #tpu.memory_space<vmem>>, vector<1x512xf32>
    %get3A_19 = vector.shape_cast %get3A_18 : vector<1x512xf32> to vector<512xf32>
    %broadcast_in_dim3A_20 = vector.shape_cast %get3A_19 : vector<512xf32> to vector<1x512xf32>
    %mul3A_21 = vector.broadcast %broadcast_in_dim3A_20 : vector<1x512xf32> to vector<1000x512xf32>
    %mul3A_22 = arith.mulf %mul3A_15, %mul3A_21 : vector<1000x512xf32>
    %get3A_23 = arith.constant 0 : index
    %get3A_24 = arith.constant 0 : index
    %get3A_25 = vector.load %arg2[%get3A_23, %get3A_24] : memref<1x512xf32, #tpu.memory_space<vmem>>, vector<1x512xf32>
    %get3A_26 = vector.shape_cast %get3A_25 : vector<1x512xf32> to vector<512xf32>
    %broadcast_in_dim3A_27 = vector.shape_cast %get3A_26 : vector<512xf32> to vector<1x512xf32>
    %add3A_28 = vector.broadcast %broadcast_in_dim3A_27 : vector<1x512xf32> to vector<1000x512xf32>
    %add3A_29 = arith.addf %mul3A_22, %add3A_28 : vector<1000x512xf32>
    %swap3A = arith.constant 0 : index
    %swap3A_30 = arith.constant 0 : index
    %swap3A_31 = vector.load %arg7[%swap3A, %swap3A_30] : memref<1000x512xf32, #tpu.memory_space<vmem>>, vector<1000x512xf32>
    tpu.vector_store %arg7[%swap3A, %swap3A_30], %add3A_29 {strides = array<i32>} : memref<1000x512xf32, #tpu.memory_space<vmem>>, vector<1000x512xf32>,
    %get3A_32 = arith.constant 0 : index
    %get3A_33 = arith.constant 0 : index
    %get3A_34 = vector.load %arg3[%get3A_32, %get3A_33] : memref<1024x1xi32, #tpu.memory_space<vmem>>, vector<1024x1xi32>
    %iota3A = tpu.iota {dimensions = array<i32: 1>} : vector<1024x128xi32>
    %eq3A = vector.broadcast %get3A_34 : vector<1024x1xi32> to vector<1024x128xi32>
    %eq3A_35 = arith.cmpi eq, %eq3A, %iota3A : vector<1024x128xi32>
    %convert_element_type3A = arith.extui %eq3A_35 : vector<1024x128xi1> to vector<1024x128xi32>
    %convert_element_type3A_36 = arith.sitofp %convert_element_type3A : vector<1024x128xi32> to vector<1024x128xf32>
    %get3A_37 = arith.constant 0 : index
    %get3A_38 = arith.constant 0 : index
    %get3A_39 = vector.load %arg4[%get3A_37, %get3A_38] : memref<128x64xf32, #tpu.memory_space<vmem>>, vector<128x64xf32>
    %dot_general3A = arith.constant dense<0.000000e+00> : vector<1024x64xf32>
    %dot_general3A_40 = tpu.matmul %convert_element_type3A_36, %get3A_39, %dot_general3A {dimension_numbers = #tpu.dot_dimension_numbers<[1], [0], [0], [1], [0, 0, 1, 1], [], []>, transpose_lhs_hint = false} : vector<1024x128xf32>, vector<128x64xf32>, vector<1024x64xf32> -> vector<1024x64xf32>
    %get3A_41 = arith.constant 0 : index
    %get3A_42 = arith.constant 0 : index
    %get3A_43 = vector.load %arg5[%get3A_41, %get3A_42] : memref<64x512xf32, #tpu.memory_space<vmem>>, vector<64x512xf32>
    %dot_general3A_44 = arith.constant dense<0.000000e+00> : vector<1024x512xf32>
    %dot_general3A_45 = tpu.matmul %dot_general3A_40, %get3A_43, %dot_general3A_44 {dimension_numbers = #tpu.dot_dimension_numbers<[1], [0], [0], [1], [0, 0, 1, 1], [], []>, transpose_lhs_hint = false} : vector<1024x64xf32>, vector<64x512xf32>, vector<1024x512xf32> -> vector<1024x512xf32>
    %get3A_46 = arith.constant 0 : index
    %get3A_47 = arith.constant 0 : index
    %get3A_48 = vector.load %arg6[%get3A_46, %get3A_47] : memref<1x512xf32, #tpu.memory_space<vmem>>, vector<1x512xf32>
    %get3A_49 = vector.shape_cast %get3A_48 : vector<1x512xf32> to vector<512xf32>
    %broadcast_in_dim3A_50 = vector.shape_cast %get3A_49 : vector<512xf32> to vector<1x512xf32>
    %add3A_51 = vector.broadcast %broadcast_in_dim3A_50 : vector<1x512xf32> to vector<1024x512xf32>
    %add3A_52 = arith.addf %dot_general3A_45, %add3A_51 : vector<1024x512xf32>
    %custom_jvp_call3A = arith.constant 0.000000e+00 : f32
    %max3A = vector.broadcast %custom_jvp_call3A : f32 to vector<1024x512xf32>
    %max3A_53 = arith.maximumf %add3A_52, %max3A : vector<1024x512xf32>
    %sub3A_54 = vector.broadcast %custom_jvp_call3A : f32 to vector<1024x512xf32>
    %sub3A_55 = arith.subf %add3A_52, %sub3A_54 : vector<1024x512xf32>
    %ne3A = arith.cmpf one, %sub3A_55, %sub3A_55 : vector<1024x512xf32>
    %add3A_56 = vector.broadcast %custom_jvp_call3A : f32 to vector<1024x512xf32>
    %add3A_57 = arith.addf %add3A_52, %add3A_56 : vector<1024x512xf32>
    %abs3A = math.absf %sub3A_55 : vector<1024x512xf32>
    %neg3A = arith.constant 0.000000e+00 : f32
    %neg3A_58 = vector.broadcast %neg3A : f32 to vector<1024x512xf32>
    %neg3A_59 = arith.subf %neg3A_58, %abs3A : vector<1024x512xf32>
    %exp3A = math.exp %neg3A_59 : vector<1024x512xf32>
    %log1p3A = math.log1p %exp3A : vector<1024x512xf32>
    %add3A_60 = arith.addf %max3A_53, %log1p3A : vector<1024x512xf32>
    %select_n3A = arith.select %ne3A, %add3A_57, %add3A_60 : vector<1024x512xi1>, vector<1024x512xf32>
    %swap3A_61 = arith.constant 0 : index
    %swap3A_62 = arith.constant 0 : index
    %swap3A_63 = vector.load %arg8[%swap3A_61, %swap3A_62] : memref<1024x512xf32, #tpu.memory_space<vmem>>, vector<1024x512xf32>
    tpu.vector_store %arg8[%swap3A_61, %swap3A_62], %select_n3A {strides = array<i32>} : memref<1024x512xf32, #tpu.memory_space<vmem>>, vector<1024x512xf32>,
    return
  }
}

</mosaic_0001>

<sc_bundles>
// kernel: kernel.4.cloned.1.call-start
scs
__scs_entry_jumppad:
0x0: {  	(pc) =	sbr.rel $0x88, $3  }
0x1: {  	(tag) =	ssettag $0x0;
	lr =	simm.s32 $0x1  }
0x2: {  	[smem:$0x3F99] =	sst lr;
	_ =	strace $0xD0000000  }
0x3: {  	_ = 	snop  }
0x4: {  	_ = 	snop  }
0x5: {  	_ = 	snop  }
0x6: {  	_ = 	snop  }
0x7: {  	_ = 	snop  }
__scs_overlays_trampoline_lowered:
0x8: {  	[smem:$0x3FA8] =	sst s0  }
0x9: {  	[smem:$0x3FA9] =	sst s1  }
0xa: {  	[smem:$0x3FAA] =	sst s2  }
0xb: {  	[smem:$0x3FAB] =	sst s3  }
0xc: {  	[smem:$0x3FAC] =	sst s4  }
0xd: {  	[smem:$0x3FAD] =	sst s5  }
0xe: {  	[smem:$0x3FAE] =	sst s6  }
0xf: {  	[smem:$0x3FAF] =	sst s7  }
0x10: {  	[smem:$0x3FB0] =	sst s8  }
0x11: {  	[smem:$0x3FB1] =	sst s9;
	s0 =	simm.s32 @!p0 $0x0  }
0x12: {  	s1 =	sld [smem:$0x3F97];
	s0 =	simm.s32 @p0 $0x1  }
0x13: {  	[smem:$0x3FB2] =	sst s0;
	s0 =	simm.s32 @!p1 $0x0  }
0x14: {  	s2 =	sld [smem:$0x3F96];
	s0 =	simm.s32 @p1 $0x1  }
0x15: {  	[smem:$0x3FB3] =	sst s0;
	s0 =	simm.s32 @!p2 $0x0  }
0x16: {  	s3 =	sld [smem:$0x3FDB];
	s0 =	simm.s32 @p2 $0x1  }
0x17: {  	s4 =	simm.s32 $0x1BF5;
	[smem:$0x3FB5] =	sst s0  }
0x18: {  	s0 =	sld [smem:$0x3F98];
	_ =	swait.ge [sflag:s4], $0x0  }
0x19: {  	s7 =	sld [smem:$0x3F99]  }
0x1a: {  	s8 =	sadd.s32 $0xFFFFE003, lr  }
0x1b: {  	s9 =	sadd.s32 $0xFFFFFEF7, lr;
	s5 =	simm.s32 $0xFFFFFFFF;
	p2 =	slt.u32 s8, $0xFFFFF086  }
0x1c: {  	p1 =	slt.u32 s9, $0xF7A;
	s5 =	simm.s32 @!p2 $0x0  }
0x1d: {  	s5 =	simm.s32 @p1 $0x1;
	p0 =	seq.s32 s7, s2  }
0x1e: {  	s7 =	smul.u32 @!p0 $0xF7A, s2;
	p2 =	seq.s32 @!p0 s5, $0x0  }
0x1f: {  	s9 =	smul.u32 $0xF7A, s1;
	s8 =	simm.s32 @!p0 $0x1BF5;
	p2 =	por !p2, p0  }
0x20: {  	[sflag:s8] =	ssyncset.s32 @!p0 $0xFFFFF086;
	s6 =	sadd.s32 @!p0 s3, s7;
	s7 =	simm.s32 @!p0 $0x108  }
0x21: {  	s3 =	sadd.s32 s3, s9;
	s6 =	sadd.s32 @!p0 $0x88, s6;
	s7 =	simm.s32 @p2 $0x1082  }
0x22: {  	[simem:s7], [sflag:s8] =	dma.local @!p0 [hbm:s6], $0xF7A  }
0x23: {  	s9 =	sor.u32 $0xD0000000, s2;
	s6 =	simm.s32 $0x108;
	_ =	swait.ge @!p0 [sflag:s8], $0x0  }
0x24: {  	s3 =	sadd.s32 $0x88, s3;
	s6 =	simm.s32 @!p1 $0x1082;
	[sflag:s4] =	ssyncset.s32 $0xFFFFF086  }
0x25: {  	[simem:s6], [sflag:s4] =	dma.local [hbm:s3], $0xF7A  }
0x26: {  	[smem:$0x3F99] =	sst s1;
	(tag) =	ssettag s2;
	_ =	strace s9  }
0x27: {  	s1 =	sld [smem:$0x3FA9]  }
0x28: {  	s2 =	sld [smem:$0x3FAA]  }
0x29: {  	s4 =	sld [smem:$0x3FAC]  }
0x2a: {  	p0 =	seq.s32 s5, $0x0;
	s5 =	sld [smem:$0x3FAD]  }
0x2b: {  	s6 =	sld [smem:$0x3FAE]  }
0x2c: {  	s7 =	sld [smem:$0x3FAF]  }
0x2d: {  	s3 =	simm.s32 $0x108;
	s8 =	sld [smem:$0x3FB0]  }
0x2e: {  	s3 =	simm.s32 @!p0 $0x1082;
	s9 =	sld [smem:$0x3FB1]  }
0x2f: {  	lr =	sadd.s32 s0, s3;
	s0 =	sld [smem:$0x3FA8]  }
0x30: {  	s3 =	sld [smem:$0x3FAB]  }
0x31: {  	[smem:$0x3FB4] =	sst s10  }
0x32: {  	s10 =	sld [smem:$0x3FB2];
	_ =	sdelay $0x3  }
0x33: {  	p0 =	seq.s32 s10, $0x1;
	s10 =	sld [smem:$0x3FB4];
	_ =	sdelay $0x3  }
0x34: {  	[smem:$0x3FB4] =	sst s10  }
0x35: {  	s10 =	sld [smem:$0x3FB3];
	_ =	sdelay $0x3  }
0x36: {  	p1 =	seq.s32 s10, $0x1;
	s10 =	sld [smem:$0x3FB4];
	_ =	sdelay $0x3  }
0x37: {  	[smem:$0x3FB4] =	sst s10  }
0x38: {  	s10 =	sld [smem:$0x3FB5]  }
0x39: {  	_ = 	snop;
	(pc) =	sbr.ind lr, $3  }
0x3a: {  	_ = 	snop  }
0x3b: {  	_ = 	snop  }
0x3c: {  	p2 =	seq.s32 s10, $0x1;
	s10 =	sld [smem:$0x3FB4]  }
0x3d: {  	_ =	shalt  }
0x3e: {  	_ =	shalt  }
0x3f: {  	_ =	shalt  }
0x40: {  	_ =	shalt  }
0x41: {  	_ =	shalt  }
0x42: {  	_ =	shalt  }
0x43: {  	_ =	shalt  }
0x44: {  	_ =	shalt  }
0x45: {  	_ =	shalt  }
0x46: {  	_ =	shalt  }
0x47: {  	_ =	shalt  }
0x48: {  	_ =	shalt  }
0x49: {  	_ =	shalt  }
0x4a: {  	_ =	shalt  }
0x4b: {  	_ =	shalt  }
0x4c: {  	_ =	shalt  }
0x4d: {  	_ =	shalt  }
0x4e: {  	_ =	shalt  }
0x4f: {  	_ =	shalt  }
0x50: {  	_ =	shalt  }
0x51: {  	_ =	shalt  }
0x52: {  	_ =	shalt  }
0x53: {  	_ =	shalt  }
0x54: {  	_ =	shalt  }
0x55: {  	_ =	shalt  }
0x56: {  	_ =	shalt  }
0x57: {  	_ =	shalt  }
0x58: {  	_ =	shalt  }
0x59: {  	_ =	shalt  }
0x5a: {  	_ =	shalt  }
0x5b: {  	_ =	shalt  }
0x5c: {  	_ =	shalt  }
0x5d: {  	_ =	shalt  }
0x5e: {  	_ =	shalt  }
0x5f: {  	_ =	shalt  }
0x60: {  	_ =	shalt  }
0x61: {  	_ =	shalt  }
0x62: {  	_ =	shalt  }
0x63: {  	_ =	shalt  }
0x64: {  	_ =	shalt  }
0x65: {  	_ =	shalt  }
0x66: {  	_ =	shalt  }
0x67: {  	_ =	shalt  }
0x68: {  	_ =	shalt  }
0x69: {  	_ =	shalt  }
0x6a: {  	_ =	shalt  }
0x6b: {  	_ =	shalt  }
0x6c: {  	_ =	shalt  }
0x6d: {  	_ =	shalt  }
0x6e: {  	_ =	shalt  }
0x6f: {  	_ =	shalt  }
0x70: {  	_ =	shalt  }
0x71: {  	_ =	shalt  }
0x72: {  	_ =	shalt  }
0x73: {  	_ =	shalt  }
0x74: {  	_ =	shalt  }
0x75: {  	_ =	shalt  }
0x76: {  	_ =	shalt  }
0x77: {  	_ =	shalt  }
0x78: {  	_ =	shalt  }
0x79: {  	_ =	shalt  }
0x7a: {  	_ =	shalt  }
0x7b: {  	_ =	shalt  }
0x7c: {  	_ =	shalt  }
0x7d: {  	_ =	shalt  }
0x7e: {  	_ =	shalt  }
0x7f: {  	_ =	shalt  }
0x80: {  	_ =	shalt  }
0x81: {  	_ =	shalt  }
0x82: {  	_ =	shalt  }
0x83: {  	_ =	shalt  }
0x84: {  	_ =	shalt  }
0x85: {  	_ =	shalt  }
0x86: {  	_ =	shalt  }
0x87: {  	_ =	shalt  }
.Lfunc_end0:
.L_simem_size_0:
called_computation_lowered:
.L_overlay_start_0:
0x88: {  	s2 =	sld [smem:$0x3FD9]  }
0x89: {  	s3 =	sld [smem:$0x3FFE];
	_ =	sdelay $0x1  }
0x8a: {  	s1 =	srdreg.scid  }
0x8b: {  	s0 =	sand.u32 $0x1, s1  }
0x8c: {  	s14 =	sshll.u32 s0, $0xA;
	s2 =	sadd.s32 s3, s2  }
0x8d: {  	s2 =	sadd.s32 s2, s14  }
0x8e: {  	[smem:$0x3FC0] =	sst s2  }
0x8f: {  	_ = 	snop  }
0x90: {  	s2 =	sld [smem:$0x3FD0];
	_ =	sdelay $0x2  }
0x91: {  	s15 =	simm.s32 $0xA;
	s4 =	simm.s32 $0x10  }
0x92: {  	[smem:s4], [sflag:s15] =	dma.local [hbm:s2], $0x1  }
0x93: {  	_ =	swait.eq [sflag:s15], $0x1  }
0x94: {  	[sflag:s15] =	ssyncset.done $0x0  }
0x95: {  	[sflag:s15] =	ssyncadd.s32 $0xFFFFFFFF  }
0x96: {  	s16 =	sld [smem:$0x10];
	(tm) =	ssettm $0x1  }
0x97: {  	s17 =	sld [smem:$0x3FFB];
	_ =	sdelay $0x3  }
0x98: {  	_ =	strace s17  }
0x99: {  	s3 =	sld [smem:$0x3FFC];
	_ =	sdelay $0x3  }
0x9a: {  	_ =	strace s3  }
0x9b: {  	s3 =	sld [smem:$0x3FFD];
	_ =	sdelay $0x3  }
0x9c: {  	_ =	strace s3  }
0x9d: {  	_ =	strace $0x8FFFFFFF  }
0x9e: {  	s18 =	sld [smem:$0x3FDB];
	_ =	sdelay $0x1  }
0x9f: {  	s19 =	simm.s32 $_scs_section_size  }
0xa0: {  	s5 =	simm.s32 $_size__tile_overlayer_lowered;
	s6 =	simm.s32 $_tile_overlayer_lowered  }
0xa1: {  	s22 =	simm.s32 $0x1BFF;
	s21 =	sshll.u32 s6, $0x1;
	s3 =	sadd.s32 s19, s18  }
0xa2: {  	s7 =	simm.s32 $0x0;
	s20 =	sshll.u32 s5, $0x1;
	s5 =	sadd.s32 s21, s3  }
0xa3: {  	[timem:s7], [sflag:s22] =	dma.local [hbm:s5], s20  }
0xa4: {  	_ =	swait.ge [sflag:s22], s20  }
0xa5: {  	s4 =	ssub.s32 $0x0, s20;
	[sflag:s22] =	ssyncset.done $0x0  }
0xa6: {  	[sflag:s22] =	ssyncadd.s32 s4;
	_ =	sdelay $0x1  }
0xa7: {  	s23 =	simm.s32 $0x1B8B  }
0xa8: {  	_ =	swait.ge [sflag:s23], $0x1  }
0xa9: {  	[sflag:s23] =	ssyncset.done $0x0  }
0xaa: {  	s25 =	simm.s32 $0x1B8E;
	s24 =	sld [smem:$0x3FFE];
	[sflag:s23] =	ssyncadd.s32 $0xFFFFFFFF  }
0xab: {  	s26 =	simm.s32 $execute0_lowered;
	[smem:$0x3FD2] =	sst s25  }
0xac: {  	s5 =	sshll.u32 s26, $0x1;
	_ =	strace $0x80000046;
	[dreg:$0x1] =	wrdreg $0xFFFFFFFF  }
0xad: {  	s28 =	simm.s32 $_size_execute0_lowered;
	s3 =	sadd.s32 s3, s5;
	[dreg:$0x0] =	wrdreg $0x0  }
0xae: {  	s5 =	sshll.u32 s28, $0x1;
	[dreg:$0x2] =	wrdreg s3  }
0xaf: {  	[dreg:$0x3] =	wrdreg s5  }
0xb0: {  	[dreg:$0x4] =	wrdreg $0xC0  }
0xb1: {  	_ =	task [dreg:s7], $0x5FFFF  }
0xb2: {  	[dreg:$0x1] =	wrdreg $0xFFFFFFFF  }
0xb3: {  	[dreg:$0x0] =	wrdreg $0x60  }
0xb4: {  	[dreg:$0x2] =	wrdreg s24  }
0xb5: {  	[dreg:$0x3] =	wrdreg s16  }
0xb6: {  	[dreg:$0x4] =	wrdreg $0x9  }
0xb7: {  	_ =	task.clear_ibuf [dreg:s7], $0x5FFFF;
	_ =	strace $0x90000046  }
0xb8: {  	s29 =	simm.s32 $0x9;
	_ =	strace $0x80000048  }
0xb9: {  	_ =	swait.ge [sflag:s29], $0x1  }
0xba: {  	[sflag:s29] =	ssyncadd.s32 $0xFFFFFFFF  }
0xbb: {  	_ =	strace $0x90000048  }
0xbc: {  	_ =	sfence  }
0xbd: {  	s30 =	sld [smem:$0x0];
	_ =	sdelay $0x2  }
0xbe: {  	s31 =	sshll.u32 s1, $0xD;
	s1 =	sshrl.u32 s1, $0x2  }
0xbf: {  	s3 =	sand.u32 $0x4000, s31;
	s1 =	sadd.s32 s1, s30  }
0xc0: {  	s0 =	sor.u32 s3, s0;
	s1 =	sshll.u32 s1, $0x11  }
0xc1: {  	s0 =	sor.u32 s1, s0  }
0xc2: {  	s0 =	sadd.s32 $0x8F2B, s0  }
0xc3: {  	[sflag:s0] =	ssyncadd.remote.s32 $0x1  }
0xc4: {  	_ =	sfence.sel $0xFFFF  }
0xc5: {  	[dreg:$0x0] =	wrdreg $0xFFFFFFFF;
	(pc) =	sbr.abs _section_cstart, $3  }
0xc6: {  	[dreg:$0x1] =	wrdreg $0xFFFFFFFF  }
0xc7: {  	_ =	task.clear_ibuf [dreg:s7], $0x2FFFF;
	_ =	strace $0x9FFFFFFF  }
0xc8: {  	(tm) =	ssettm $0x7FFFFFFF  }
0xc9: {  	_ =	shalt  }
tec
execute0_lowered:
.L_overlay_start_1:
0x0: {  	(tag) =	ssettag $0x1  }
0x1: {  	s0 =	rddreg [dreg:$0x0];
	s1 =	srdreg.scid  }
0x2: {  	s8 =	stileid.u32;
	s4 =	rddreg [dreg:$0x1];
	s2 =	simm.s32 $0x0  }
0x3: {  	s19 =	simm.s32 $0x6900;
	s30 =	simm.s32 $0x1;
	s31 =	simm.s32 $0xB900  }
0x4: {  	s13 =	simm.s32 $0xE900;
	s14 =	simm.s32 $0xF100;
	s15 =	simm.s32 $0xF900  }
0x5: {  	s16 =	simm.s32 $0x10100;
	s17 =	simm.s32 $0x2;
	s18 =	simm.s32 $0x10900  }
0x6: {  	s20 =	simm.s32 $0x12900;
	s9 =	simm.s32 $0x13100;
	s21 =	simm.s32 $0x13900  }
0x7: {  	s22 =	simm.s32 $0x14100;
	s23 =	simm.s32 $0x14900;
	s24 =	simm.s32 $0x15100  }
0x8: {  	s28 =	simm.s32 $0x4;
	s29 =	simm.s32 $0x6;
	s1 =	sand.u32 $0x1, s1  }
0x9: {  	s3 =	sshll.u32 s8, $0x1;
	[smem:$0x7FF] =	sst s2;
	s8 =	smul.u32 $0xC8000, s8  }
0xa: {  	s3 =	sor.u32 s1, s3;
	s6 =	ssub.s32 $0x2, s1;
	s1 =	smul.u32 $0x64000, s1  }
0xb: {  	s10 =	simm.s32 $0x0;
	_ =	strace $0x80000047;
	s5 =	smul.u32 $0x1900, s3  }
0xc: {  	s3 =	sadd.s32 $0x7800, s0;
	s7 =	sshrl.u32 s6, $0x1;
	s26 =	sadd.s32 s8, s4  }
.Ltmp0:
0xd: {  	s4 =	simm.s32 $0x11100;
	s8 =	simm.s32 $0x12100;
	(pc) =	sbr.rel .LBB2_1-.Ltmp0, $4  }
0xe: {  	s6 =	ssub.s32 s6, s7;
	s7 =	sadd.s32 s1, s26;
	s5 =	sshrl.u32 s5, $0x3  }
0xf: {  	v2 =	vlaneseq.u32;
	s26 =	simm.s32 $0x5;
	s25 =	smax.u32 s6, $0x1;
	s5 =	sadd.s32 s5, s0  }
0x10: {  	vm0 =	vmmov $0xffff;
	v1 =	vshrl.u32 v2, $0x3;
	s6 =	simm.s32 $0x11900;
	[dreg:$0x4] =	wrdreg s25;
	s5 =	sadd.s32 $0x1400, s5  }
0x11: {  	v0 =	vand.u32 $0x7, v2;
	v2 =	vor.u32 $0x8, v2;
	v1 =	vmul.u32 $0x8, v1;
	s25 =	simm.s32 $0x3;
	[dreg:$0x3] =	wrdreg s5;
	s5 =	sadd.s32 $0x7900, s0  }
.LBB2_4:
0x12: {  	s0 =	simm.s32 $0x7  }
0x13: {  	_ =	swait.ge [sflag:s0], $0x5000  }
0x14: {  	[sflag:s0] =	ssyncset.done $0x0  }
0x15: {  	s1 =	simm.s32 $0x8;
	[sflag:s0] =	ssyncadd.s32 $0xFFFFB000  }
0x16: {  	_ =	swait.ge [sflag:s1], $0x5000  }
0x17: {  	s10 =	rddreg [dreg:$0x5]  }
0x18: {  	s12 =	rddreg [dreg:$0x4];
	s10 =	sadd.s32 $0x1, s10  }
0x19: {  	p0 =	sne.s32 s10, s12  }
.Ltmp1:
0x1a: {  	_ = 	snop;
	(pc) =	sbr.rel @!p0 .LBB2_5-.Ltmp1, $3  }
0x1b: {  	_ =	sdelay $0x1  }
0x1c: {  	[sflag:s1] =	ssyncset.done $0x0  }
0x1d: {  	[sflag:s1] =	ssyncadd.s32 $0xFFFFB000  }
.LBB2_1:
0x1e: {  	[dreg:$0x5] =	wrdreg s10  }
0x1f: {  	s0 =	rddreg [dreg:$0x3];
	s1 =	simm.s32 $0x9  }
0x20: {  	[tilespmem:s2], [sflag:$0x9] =	stream.linear.gather [hbm4b:s0+s2], $0x1900, $0x38;
	[tilespmem:$0x15900] =	vst v63  }
0x21: {  	_ =	swait.ge [sflag:s1], $0x1900  }
0x22: {  	[sflag:s1] =	ssyncset.done $0x0  }
0x23: {  	[sflag:s1] =	ssyncadd.s32 $0xFFFFE700  }
0x24: {  	v3 =	vld [tilespmem:$0x0];
	_ =	sdelay $0x4  }
0x25: {  	v4 =	vshll.u32 v3, $0x2  }
0x26: {  	v3 =	vand.u32 $0x7, v3;
	v4 =	vand.u32 $0xFFFFFFE0, v4  }
0x27: {  	v3 =	vor.u32 v3, v4  }
0x28: {  	v4 =	vperm.xlane v3, v0;
	_ =	sdelay $0x1  }
0x29: {  	v4 =	vadd.s32 v1, v4;
	_ =	sdelay $0x1  }
0x2a: {  	v3 =	vperm.xlane v3, v2;
	_ =	sdelay $0x1  }
0x2b: {  	s10 =	simm.s32 $0x1900;
	v3 =	vadd.s32 v1, v3  }
0x2c: {  	[tilespmem:s10], [sflag:$0x1] =	stream.indirect_vreg.gather [hbm4b:s3+s2], $0x80, v4, vm0, $0xb8;
	[tilespmem:$0x15900] =	vst v63  }
0x2d: {  	s11 =	simm.s32 $0x2100  }
0x2e: {  	[tilespmem:s11], [sflag:$0x1] =	stream.indirect_vreg.gather [hbm4b:s5+s2], $0x80, v4, vm0, $0xb8;
	[tilespmem:$0x15900] =	vst v63  }
0x2f: {  	s12 =	simm.s32 $0x2900  }
0x30: {  	[tilespmem:s12], [sflag:$0x1] =	stream.indirect_vreg.gather [hbm4b:s3+s2], $0x80, v3, vm0, $0xb8;
	[tilespmem:$0x15900] =	vst v63  }
0x31: {  	s1 =	simm.s32 $0x3100  }
0x32: {  	[tilespmem:s1], [sflag:$0x1] =	stream.indirect_vreg.gather [hbm4b:s5+s2], $0x80, v3, vm0, $0xb8;
	[tilespmem:$0x15900] =	vst v63  }
0x33: {  	v3 =	vld [tilespmem:$0x10];
	_ =	sdelay $0x4  }
0x34: {  	v59 =	vshll.u32 v3, $0x2  }
0x35: {  	v3 =	vand.u32 $0x7, v3;
	v4 =	vand.u32 $0xFFFFFFE0, v59  }
0x36: {  	v3 =	vor.u32 v3, v4  }
0x37: {  	v4 =	vperm.xlane v3, v0;
	_ =	sdelay $0x1  }
0x38: {  	v4 =	vadd.s32 v1, v4;
	_ =	sdelay $0x1  }
0x39: {  	v3 =	vperm.xlane v3, v2;
	_ =	sdelay $0x1  }
0x3a: {  	s10 =	simm.s32 $0x3900;
	v3 =	vadd.s32 v1, v3  }
0x3b: {  	[tilespmem:s10], [sflag:$0x1] =	stream.indirect_vreg.gather [hbm4b:s3+s2], $0x80, v4, vm0, $0xb8;
	[tilespmem:$0x15900] =	vst v63  }
0x3c: {  	s11 =	simm.s32 $0x4100  }
0x3d: {  	[tilespmem:s11], [sflag:$0x1] =	stream.indirect_vreg.gather [hbm4b:s5+s2], $0x80, v4, vm0, $0xb8;
	[tilespmem:$0x15900] =	vst v63  }
0x3e: {  	s12 =	simm.s32 $0x4900  }
0x3f: {  	[tilespmem:s12], [sflag:$0x1] =	stream.indirect_vreg.gather [hbm4b:s3+s2], $0x80, v3, vm0, $0xb8;
	[tilespmem:$0x15900] =	vst v63  }
0x40: {  	s1 =	simm.s32 $0x5100  }
0x41: {  	[tilespmem:s1], [sflag:$0x1] =	stream.indirect_vreg.gather [hbm4b:s5+s2], $0x80, v3, vm0, $0xb8;
	[tilespmem:$0x15900] =	vst v63  }
0x42: {  	v3 =	vld.msk [tilespmem:$0x20], $0xff;
	_ =	sdelay $0x4  }
0x43: {  	v60 =	vshll.u32 v3, $0x2  }
0x44: {  	v3 =	vand.u32 $0x7, v3;
	v4 =	vand.u32 $0xFFFFFFE0, v60  }
0x45: {  	v3 =	vor.u32 v3, v4  }
0x46: {  	v3 =	vperm.xlane v3, v0;
	_ =	sdelay $0x1  }
0x47: {  	v3 =	vadd.s32 v1, v3;
	_ =	sdelay $0x3  }
0x48: {  	s10 =	simm.s32 $0x5900  }
0x49: {  	[tilespmem:s10], [sflag:$0x1] =	stream.indirect_vreg.gather [hbm4b:s3+s2], $0x80, v3, vm0, $0xb8;
	[tilespmem:$0x15900] =	vst v63  }
0x4a: {  	s11 =	simm.s32 $0x6100  }
0x4b: {  	[tilespmem:s11], [sflag:$0x1] =	stream.indirect_vreg.gather [hbm4b:s5+s2], $0x80, v3, vm0, $0xb8;
	[tilespmem:$0x15900] =	vst v63  }
0x4c: {  	v3 =	vld [tilespmem:$0x28];
	_ =	sdelay $0x4  }
0x4d: {  	v61 =	vshll.u32 v3, $0x2  }
0x4e: {  	v3 =	vand.u32 $0x7, v3;
	v4 =	vand.u32 $0xFFFFFFE0, v61  }
0x4f: {  	v3 =	vor.u32 v3, v4  }
0x50: {  	v4 =	vperm.xlane v3, v0;
	_ =	sdelay $0x1  }
0x51: {  	v4 =	vadd.s32 v1, v4;
	_ =	sdelay $0x1  }
0x52: {  	v3 =	vperm.xlane v3, v2;
	_ =	sdelay $0x1  }
0x53: {  	v3 =	vadd.s32 v1, v3  }
0x54: {  	[tilespmem:s19], [sflag:$0x2] =	stream.indirect_vreg.gather [hbm4b:s3+s2], $0x80, v4, vm0, $0xb8;
	[tilespmem:$0x15900] =	vst v63  }
0x55: {  	s12 =	simm.s32 $0x7100  }
0x56: {  	[tilespmem:s12], [sflag:$0x2] =	stream.indirect_vreg.gather [hbm4b:s5+s2], $0x80, v4, vm0, $0xb8;
	[tilespmem:$0x15900] =	vst v63  }
0x57: {  	s1 =	simm.s32 $0x7900  }
0x58: {  	[tilespmem:s1], [sflag:$0x2] =	stream.indirect_vreg.gather [hbm4b:s3+s2], $0x80, v3, vm0, $0xb8;
	[tilespmem:$0x15900] =	vst v63  }
0x59: {  	s10 =	simm.s32 $0x8100  }
0x5a: {  	[tilespmem:s10], [sflag:$0x2] =	stream.indirect_vreg.gather [hbm4b:s5+s2], $0x80, v3, vm0, $0xb8;
	[tilespmem:$0x15900] =	vst v63  }
0x5b: {  	v3 =	vld [tilespmem:$0x38];
	_ =	sdelay $0x4  }
0x5c: {  	v62 =	vshll.u32 v3, $0x2  }
0x5d: {  	v3 =	vand.u32 $0x7, v3;
	v4 =	vand.u32 $0xFFFFFFE0, v62  }
0x5e: {  	v3 =	vor.u32 v3, v4  }
0x5f: {  	v4 =	vperm.xlane v3, v0;
	_ =	sdelay $0x1  }
0x60: {  	v4 =	vadd.s32 v1, v4;
	_ =	sdelay $0x1  }
0x61: {  	v3 =	vperm.xlane v3, v2;
	_ =	sdelay $0x1  }
0x62: {  	s11 =	simm.s32 $0x8900;
	v3 =	vadd.s32 v1, v3  }
0x63: {  	[tilespmem:s11], [sflag:$0x2] =	stream.indirect_vreg.gather [hbm4b:s3+s2], $0x80, v4, vm0, $0xb8;
	[tilespmem:$0x15900] =	vst v63  }
0x64: {  	s12 =	simm.s32 $0x9100  }
0x65: {  	[tilespmem:s12], [sflag:$0x2] =	stream.indirect_vreg.gather [hbm4b:s5+s2], $0x80, v4, vm0, $0xb8;
	[tilespmem:$0x15900] =	vst v63  }
0x66: {  	s1 =	simm.s32 $0x9900  }
0x67: {  	[tilespmem:s1], [sflag:$0x2] =	stream.indirect_vreg.gather [hbm4b:s3+s2], $0x80, v3, vm0, $0xb8;
	[tilespmem:$0x15900] =	vst v63  }
0x68: {  	s10 =	simm.s32 $0xA100  }
0x69: {  	[tilespmem:s10], [sflag:$0x2] =	stream.indirect_vreg.gather [hbm4b:s5+s2], $0x80, v3, vm0, $0xb8;
	[tilespmem:$0x15900] =	vst v63  }
0x6a: {  	v3 =	vld.msk [tilespmem:$0x48], $0xff;
	_ =	sdelay $0x4  }
0x6b: {  	v63 =	vshll.u32 v3, $0x2  }
0x6c: {  	v3 =	vand.u32 $0x7, v3;
	v4 =	vand.u32 $0xFFFFFFE0, v63  }
0x6d: {  	v3 =	vor.u32 v3, v4  }
0x6e: {  	v3 =	vperm.xlane v3, v0;
	_ =	sdelay $0x1  }
0x6f: {  	v3 =	vadd.s32 v1, v3;
	_ =	sdelay $0x3  }
0x70: {  	s11 =	simm.s32 $0xA900  }
0x71: {  	[tilespmem:s11], [sflag:$0x2] =	stream.indirect_vreg.gather [hbm4b:s3+s2], $0x80, v3, vm0, $0xb8;
	[tilespmem:$0x15900] =	vst v63  }
0x72: {  	s0 =	simm.s32 $0x0;
	s12 =	simm.s32 $0xB100;
	s1 =	simm.s32 $0x78  }
0x73: {  	[tilespmem:s12], [sflag:$0x2] =	stream.indirect_vreg.gather [hbm4b:s5+s2], $0x80, v3, vm0, $0xb8;
	[tilespmem:$0x15900] =	vst v63  }
.LBB2_2:
0x74: {  	_ =	swait.ge [sflag:s30], $0x5000  }
0x75: {  	s10 =	sadd.s32 s0, s7;
	[sflag:s30] =	ssyncset.done $0x0  }
0x76: {  	s11 =	simm.s32 $0x1900;
	p0 =	seq.s32 s0, $0x0;
	[sflag:s30] =	ssyncadd.s32 $0xFFFFB000  }
0x77: {  	[hbm4b:s10+s2] =	stream.linear.scatter [tilespmem:s11], [sflag:$0x5], $0x5000, $0x38;
	[tilespmem:$0x15900] =	vst v63  }
0x78: {  	s11 =	simm.s32 @!p0 $0x7  }
0x79: {  	_ =	swait.ge @!p0 [sflag:s11], $0x5000  }
0x7a: {  	[sflag:s11] =	ssyncset.done @!p0 $0x0  }
0x7b: {  	[sflag:s11] =	ssyncadd.s32 @!p0 $0xFFFFB000  }
0x7c: {  	v3 =	vld [tilespmem:s1+$0xFFFFFFD8];
	_ =	sdelay $0x4  }
0x7d: {  	v4 =	vshll.u32 v3, $0x2  }
0x7e: {  	v3 =	vand.u32 $0x7, v3;
	v4 =	vand.u32 $0xFFFFFFE0, v4  }
0x7f: {  	v3 =	vor.u32 v3, v4  }
0x80: {  	v4 =	vperm.xlane v3, v0;
	_ =	sdelay $0x1  }
0x81: {  	v4 =	vadd.s32 v1, v4;
	_ =	sdelay $0x1  }
0x82: {  	v3 =	vperm.xlane v3, v2;
	_ =	sdelay $0x1  }
0x83: {  	v3 =	vadd.s32 v1, v3  }
0x84: {  	[tilespmem:s31], [sflag:$0x3] =	stream.indirect_vreg.gather [hbm4b:s3+s2], $0x80, v4, vm0, $0xb8;
	[tilespmem:$0x15900] =	vst v63  }
0x85: {  	s12 =	simm.s32 $0xC100  }
0x86: {  	[tilespmem:s12], [sflag:$0x3] =	stream.indirect_vreg.gather [hbm4b:s5+s2], $0x80, v4, vm0, $0xb8;
	[tilespmem:$0x15900] =	vst v63  }
0x87: {  	s12 =	simm.s32 $0xC900  }
0x88: {  	[tilespmem:s12], [sflag:$0x3] =	stream.indirect_vreg.gather [hbm4b:s3+s2], $0x80, v3, vm0, $0xb8;
	[tilespmem:$0x15900] =	vst v63  }
0x89: {  	s12 =	simm.s32 $0xD100  }
0x8a: {  	[tilespmem:s12], [sflag:$0x3] =	stream.indirect_vreg.gather [hbm4b:s5+s2], $0x80, v3, vm0, $0xb8;
	[tilespmem:$0x15900] =	vst v63  }
0x8b: {  	v3 =	vld [tilespmem:s1+$0xFFFFFFE8];
	_ =	sdelay $0x4  }
0x8c: {  	v59 =	vshll.u32 v3, $0x2  }
0x8d: {  	v3 =	vand.u32 $0x7, v3;
	v4 =	vand.u32 $0xFFFFFFE0, v59  }
0x8e: {  	v3 =	vor.u32 v3, v4  }
0x8f: {  	v4 =	vperm.xlane v3, v0;
	_ =	sdelay $0x1  }
0x90: {  	v4 =	vadd.s32 v1, v4;
	_ =	sdelay $0x1  }
0x91: {  	v3 =	vperm.xlane v3, v2;
	_ =	sdelay $0x1  }
0x92: {  	s12 =	simm.s32 $0xD900;
	v3 =	vadd.s32 v1, v3  }
0x93: {  	[tilespmem:s12], [sflag:$0x3] =	stream.indirect_vreg.gather [hbm4b:s3+s2], $0x80, v4, vm0, $0xb8;
	[tilespmem:$0x15900] =	vst v63  }
0x94: {  	s12 =	simm.s32 $0xE100  }
0x95: {  	[tilespmem:s12], [sflag:$0x3] =	stream.indirect_vreg.gather [hbm4b:s5+s2], $0x80, v4, vm0, $0xb8;
	[tilespmem:$0x15900] =	vst v63  }
0x96: {  	_ = 	snop  }
0x97: {  	[tilespmem:s13], [sflag:$0x3] =	stream.indirect_vreg.gather [hbm4b:s3+s2], $0x80, v3, vm0, $0xb8;
	[tilespmem:$0x15900] =	vst v63  }
0x98: {  	_ = 	snop  }
0x99: {  	[tilespmem:s14], [sflag:$0x3] =	stream.indirect_vreg.gather [hbm4b:s5+s2], $0x80, v3, vm0, $0xb8;
	[tilespmem:$0x15900] =	vst v63  }
0x9a: {  	v3 =	vld.msk [tilespmem:s1+$0xFFFFFFF8], $0xff;
	_ =	sdelay $0x4  }
0x9b: {  	v60 =	vshll.u32 v3, $0x2  }
0x9c: {  	v3 =	vand.u32 $0x7, v3;
	v4 =	vand.u32 $0xFFFFFFE0, v60  }
0x9d: {  	v3 =	vor.u32 v3, v4  }
0x9e: {  	v3 =	vperm.xlane v3, v0;
	_ =	sdelay $0x1  }
0x9f: {  	v3 =	vadd.s32 v1, v3;
	_ =	sdelay $0x4  }
0xa0: {  	[tilespmem:s15], [sflag:$0x3] =	stream.indirect_vreg.gather [hbm4b:s3+s2], $0x80, v3, vm0, $0xb8;
	[tilespmem:$0x15900] =	vst v63  }
0xa1: {  	_ = 	snop  }
0xa2: {  	[tilespmem:s16], [sflag:$0x3] =	stream.indirect_vreg.gather [hbm4b:s5+s2], $0x80, v3, vm0, $0xb8;
	[tilespmem:$0x15900] =	vst v63  }
0xa3: {  	_ =	swait.ge [sflag:s17], $0x5000  }
0xa4: {  	[sflag:s17] =	ssyncset.done $0x0  }
0xa5: {  	s11 =	simm.s32 @!p0 $0x8;
	s12 =	sadd.s32 $0xA00, s10;
	[sflag:s17] =	ssyncadd.s32 $0xFFFFB000  }
0xa6: {  	[hbm4b:s12+s2] =	stream.linear.scatter [tilespmem:s19], [sflag:$0x6], $0x5000, $0x38;
	[tilespmem:$0x15900] =	vst v63  }
0xa7: {  	_ =	swait.ge @!p0 [sflag:s11], $0x5000  }
0xa8: {  	[sflag:s11] =	ssyncset.done @!p0 $0x0  }
0xa9: {  	[sflag:s11] =	ssyncadd.s32 @!p0 $0xFFFFB000  }
0xaa: {  	v3 =	vld [tilespmem:s1+$0x0];
	_ =	sdelay $0x4  }
0xab: {  	v61 =	vshll.u32 v3, $0x2  }
0xac: {  	v3 =	vand.u32 $0x7, v3;
	v4 =	vand.u32 $0xFFFFFFE0, v61  }
0xad: {  	v3 =	vor.u32 v3, v4  }
0xae: {  	v4 =	vperm.xlane v3, v0;
	_ =	sdelay $0x1  }
0xaf: {  	v4 =	vadd.s32 v1, v4;
	_ =	sdelay $0x1  }
0xb0: {  	v3 =	vperm.xlane v3, v2;
	_ =	sdelay $0x1  }
0xb1: {  	v3 =	vadd.s32 v1, v3  }
0xb2: {  	[tilespmem:s18], [sflag:$0x4] =	stream.indirect_vreg.gather [hbm4b:s3+s2], $0x80, v4, vm0, $0xb8;
	[tilespmem:$0x15900] =	vst v63  }
0xb3: {  	_ = 	snop  }
0xb4: {  	[tilespmem:s4], [sflag:$0x4] =	stream.indirect_vreg.gather [hbm4b:s5+s2], $0x80, v4, vm0, $0xb8;
	[tilespmem:$0x15900] =	vst v63  }
0xb5: {  	_ = 	snop  }
0xb6: {  	[tilespmem:s6], [sflag:$0x4] =	stream.indirect_vreg.gather [hbm4b:s3+s2], $0x80, v3, vm0, $0xb8;
	[tilespmem:$0x15900] =	vst v63  }
0xb7: {  	_ = 	snop  }
0xb8: {  	[tilespmem:s8], [sflag:$0x4] =	stream.indirect_vreg.gather [hbm4b:s5+s2], $0x80, v3, vm0, $0xb8;
	[tilespmem:$0x15900] =	vst v63  }
0xb9: {  	v3 =	vld [tilespmem:s1+$0x10];
	_ =	sdelay $0x4  }
0xba: {  	v62 =	vshll.u32 v3, $0x2  }
0xbb: {  	v3 =	vand.u32 $0x7, v3;
	v4 =	vand.u32 $0xFFFFFFE0, v62  }
0xbc: {  	v3 =	vor.u32 v3, v4  }
0xbd: {  	v4 =	vperm.xlane v3, v0;
	_ =	sdelay $0x1  }
0xbe: {  	v4 =	vadd.s32 v1, v4;
	_ =	sdelay $0x1  }
0xbf: {  	v3 =	vperm.xlane v3, v2;
	_ =	sdelay $0x1  }
0xc0: {  	v3 =	vadd.s32 v1, v3  }
0xc1: {  	[tilespmem:s20], [sflag:$0x4] =	stream.indirect_vreg.gather [hbm4b:s3+s2], $0x80, v4, vm0, $0xb8;
	[tilespmem:$0x15900] =	vst v63  }
0xc2: {  	_ = 	snop  }
0xc3: {  	[tilespmem:s9], [sflag:$0x4] =	stream.indirect_vreg.gather [hbm4b:s5+s2], $0x80, v4, vm0, $0xb8;
	[tilespmem:$0x15900] =	vst v63  }
0xc4: {  	_ = 	snop  }
0xc5: {  	[tilespmem:s21], [sflag:$0x4] =	stream.indirect_vreg.gather [hbm4b:s3+s2], $0x80, v3, vm0, $0xb8;
	[tilespmem:$0x15900] =	vst v63  }
0xc6: {  	_ = 	snop  }
0xc7: {  	[tilespmem:s22], [sflag:$0x4] =	stream.indirect_vreg.gather [hbm4b:s5+s2], $0x80, v3, vm0, $0xb8;
	[tilespmem:$0x15900] =	vst v63  }
0xc8: {  	v3 =	vld.msk [tilespmem:s1+$0x20], $0xff;
	_ =	sdelay $0x4  }
0xc9: {  	v63 =	vshll.u32 v3, $0x2  }
0xca: {  	v3 =	vand.u32 $0x7, v3;
	v4 =	vand.u32 $0xFFFFFFE0, v63  }
0xcb: {  	v3 =	vor.u32 v3, v4  }
0xcc: {  	v3 =	vperm.xlane v3, v0;
	_ =	sdelay $0x1  }
0xcd: {  	v3 =	vadd.s32 v1, v3;
	_ =	sdelay $0x4  }
0xce: {  	[tilespmem:s23], [sflag:$0x4] =	stream.indirect_vreg.gather [hbm4b:s3+s2], $0x80, v3, vm0, $0xb8;
	[tilespmem:$0x15900] =	vst v63  }
0xcf: {  	_ = 	snop  }
0xd0: {  	[tilespmem:s24], [sflag:$0x4] =	stream.indirect_vreg.gather [hbm4b:s5+s2], $0x80, v3, vm0, $0xb8;
	[tilespmem:$0x15900] =	vst v63  }
0xd1: {  	_ =	swait.ge [sflag:s25], $0x5000  }
0xd2: {  	[sflag:s25] =	ssyncset.done $0x0  }
0xd3: {  	s12 =	sadd.s32 $0x1400, s10;
	[sflag:s25] =	ssyncadd.s32 $0xFFFFB000  }
0xd4: {  	[hbm4b:s12+s2] =	stream.linear.scatter [tilespmem:s31], [sflag:$0x7], $0x5000, $0x38;
	[tilespmem:$0x15900] =	vst v63  }
0xd5: {  	_ =	swait.ge [sflag:s26], $0x5000  }
0xd6: {  	[sflag:s26] =	ssyncset.done $0x0  }
0xd7: {  	p0 =	seq.s32 s0, $0x61800;
	[sflag:s26] =	ssyncadd.s32 $0xFFFFB000  }
0xd8: {  	v3 =	vld @!p0 [tilespmem:s1+$0x28];
	_ =	sdelay $0x4  }
0xd9: {  	v4 =	vshll.u32 @!p0 v3, $0x2  }
0xda: {  	v5 =	vlaneseq.u32 @!p0;
	v3 =	vand.u32 @!p0 $0x7, v3;
	v4 =	vand.u32 @!p0 $0xFFFFFFE0, v4  }
0xdb: {  	v6 =	vshrl.u32 @!p0 v5, $0x3;
	v3 =	vor.u32 @!p0 v3, v4;
	v4 =	vand.u32 @!p0 $0x7, v5  }
0xdc: {  	v6 =	vmul.u32 @!p0 $0x8, v6;
	v7 =	vperm.xlane @!p0 v3, v4;
	_ =	sdelay $0x1  }
0xdd: {  	v7 =	vadd.s32 @!p0 v6, v7  }
0xde: {  	v5 =	vor.u32 @!p0 $0x8, v5  }
0xdf: {  	v3 =	vperm.xlane @!p0 v3, v5;
	_ =	sdelay $0x1  }
0xe0: {  	vm1 =	vmmov @!p0 $0xffff;
	s11 =	simm.s32 @!p0 $0x0;
	s12 =	simm.s32 @!p0 $0x1900;
	v3 =	vadd.s32 @!p0 v6, v3  }
0xe1: {  	[tilespmem:s12], [sflag:$0x1] =	stream.indirect_vreg.gather @!p0 [hbm4b:s3+s11], $0x80, v7, vm1, $0xb8;
	[tilespmem:$0x15900] =	vst v63  }
0xe2: {  	s12 =	simm.s32 @!p0 $0x2100  }
0xe3: {  	[tilespmem:s12], [sflag:$0x1] =	stream.indirect_vreg.gather @!p0 [hbm4b:s5+s11], $0x80, v7, vm1, $0xb8;
	[tilespmem:$0x15900] =	vst v63  }
0xe4: {  	s12 =	simm.s32 @!p0 $0x2900  }
0xe5: {  	[tilespmem:s12], [sflag:$0x1] =	stream.indirect_vreg.gather @!p0 [hbm4b:s3+s11], $0x80, v3, vm1, $0xb8;
	[tilespmem:$0x15900] =	vst v63  }
0xe6: {  	s12 =	simm.s32 @!p0 $0x3100  }
0xe7: {  	[tilespmem:s12], [sflag:$0x1] =	stream.indirect_vreg.gather @!p0 [hbm4b:s5+s11], $0x80, v3, vm1, $0xb8;
	[tilespmem:$0x15900] =	vst v63  }
0xe8: {  	v3 =	vld @!p0 [tilespmem:s1+$0x38];
	_ =	sdelay $0x4  }
0xe9: {  	v7 =	vshll.u32 @!p0 v3, $0x2  }
0xea: {  	v3 =	vand.u32 @!p0 $0x7, v3;
	v7 =	vand.u32 @!p0 $0xFFFFFFE0, v7  }
0xeb: {  	v3 =	vor.u32 @!p0 v3, v7  }
0xec: {  	v7 =	vperm.xlane @!p0 v3, v4;
	_ =	sdelay $0x1  }
0xed: {  	v7 =	vadd.s32 @!p0 v6, v7;
	_ =	sdelay $0x1  }
0xee: {  	v3 =	vperm.xlane @!p0 v3, v5;
	_ =	sdelay $0x1  }
0xef: {  	s12 =	simm.s32 @!p0 $0x3900;
	v3 =	vadd.s32 @!p0 v6, v3  }
0xf0: {  	[tilespmem:s12], [sflag:$0x1] =	stream.indirect_vreg.gather @!p0 [hbm4b:s3+s11], $0x80, v7, vm1, $0xb8;
	[tilespmem:$0x15900] =	vst v63  }
0xf1: {  	s12 =	simm.s32 @!p0 $0x4100  }
0xf2: {  	[tilespmem:s12], [sflag:$0x1] =	stream.indirect_vreg.gather @!p0 [hbm4b:s5+s11], $0x80, v7, vm1, $0xb8;
	[tilespmem:$0x15900] =	vst v63  }
0xf3: {  	s12 =	simm.s32 @!p0 $0x4900  }
0xf4: {  	[tilespmem:s12], [sflag:$0x1] =	stream.indirect_vreg.gather @!p0 [hbm4b:s3+s11], $0x80, v3, vm1, $0xb8;
	[tilespmem:$0x15900] =	vst v63  }
0xf5: {  	s12 =	simm.s32 @!p0 $0x5100  }
0xf6: {  	[tilespmem:s12], [sflag:$0x1] =	stream.indirect_vreg.gather @!p0 [hbm4b:s5+s11], $0x80, v3, vm1, $0xb8;
	[tilespmem:$0x15900] =	vst v63  }
0xf7: {  	v3 =	vld.msk @!p0 [tilespmem:s1+$0x48], $0xff;
	_ =	sdelay $0x4  }
0xf8: {  	v5 =	vshll.u32 @!p0 v3, $0x2  }
0xf9: {  	v3 =	vand.u32 @!p0 $0x7, v3;
	v5 =	vand.u32 @!p0 $0xFFFFFFE0, v5  }
0xfa: {  	v3 =	vor.u32 @!p0 v3, v5  }
0xfb: {  	v3 =	vperm.xlane @!p0 v3, v4;
	_ =	sdelay $0x1  }
0xfc: {  	v3 =	vadd.s32 @!p0 v6, v3;
	_ =	sdelay $0x3  }
0xfd: {  	s12 =	simm.s32 @!p0 $0x5900  }
0xfe: {  	[tilespmem:s12], [sflag:$0x1] =	stream.indirect_vreg.gather @!p0 [hbm4b:s3+s11], $0x80, v3, vm1, $0xb8;
	[tilespmem:$0x15900] =	vst v63  }
0xff: {  	s12 =	simm.s32 @!p0 $0x6100  }
0x100: {  	[tilespmem:s12], [sflag:$0x1] =	stream.indirect_vreg.gather @!p0 [hbm4b:s5+s11], $0x80, v3, vm1, $0xb8;
	[tilespmem:$0x15900] =	vst v63  }
0x101: {  	_ =	swait.ge [sflag:s28], $0x5000  }
0x102: {  	[sflag:s28] =	ssyncset.done $0x0  }
.Ltmp2:
0x103: {  	s10 =	sadd.s32 $0x1E00, s10;
	[sflag:s28] =	ssyncadd.s32 $0xFFFFB000;
	(pc) =	sbr.rel @p0 .LBB2_4-.Ltmp2, $4  }
0x104: {  	[hbm4b:s10+s2] =	stream.linear.scatter [tilespmem:s18], [sflag:$0x8], $0x5000, $0x38;
	[tilespmem:$0x15900] =	vst v63  }
0x105: {  	_ =	swait.ge [sflag:s29], $0x5000  }
0x106: {  	[sflag:s29] =	ssyncset.done $0x0  }
0x107: {  	[sflag:s29] =	ssyncadd.s32 $0xFFFFB000  }
0x108: {  	v3 =	vld [tilespmem:s1+$0x50];
	_ =	sdelay $0x4  }
0x109: {  	v4 =	vshll.u32 v3, $0x2  }
0x10a: {  	v3 =	vand.u32 $0x7, v3;
	v4 =	vand.u32 $0xFFFFFFE0, v4  }
0x10b: {  	v3 =	vor.u32 v3, v4  }
0x10c: {  	v4 =	vperm.xlane v3, v0;
	_ =	sdelay $0x1  }
0x10d: {  	v4 =	vadd.s32 v1, v4;
	_ =	sdelay $0x1  }
0x10e: {  	v3 =	vperm.xlane v3, v2;
	_ =	sdelay $0x1  }
0x10f: {  	v3 =	vadd.s32 v1, v3  }
0x110: {  	[tilespmem:s19], [sflag:$0x2] =	stream.indirect_vreg.gather [hbm4b:s3+s2], $0x80, v4, vm0, $0xb8;
	[tilespmem:$0x15900] =	vst v63  }
0x111: {  	s10 =	simm.s32 $0x7100  }
0x112: {  	[tilespmem:s10], [sflag:$0x2] =	stream.indirect_vreg.gather [hbm4b:s5+s2], $0x80, v4, vm0, $0xb8;
	[tilespmem:$0x15900] =	vst v63  }
0x113: {  	s11 =	simm.s32 $0x7900  }
0x114: {  	[tilespmem:s11], [sflag:$0x2] =	stream.indirect_vreg.gather [hbm4b:s3+s2], $0x80, v3, vm0, $0xb8;
	[tilespmem:$0x15900] =	vst v63  }
0x115: {  	s12 =	simm.s32 $0x8100  }
0x116: {  	[tilespmem:s12], [sflag:$0x2] =	stream.indirect_vreg.gather [hbm4b:s5+s2], $0x80, v3, vm0, $0xb8;
	[tilespmem:$0x15900] =	vst v63  }
0x117: {  	v3 =	vld [tilespmem:s1+$0x60];
	_ =	sdelay $0x4  }
0x118: {  	v62 =	vshll.u32 v3, $0x2  }
0x119: {  	v3 =	vand.u32 $0x7, v3;
	v4 =	vand.u32 $0xFFFFFFE0, v62  }
0x11a: {  	v3 =	vor.u32 v3, v4  }
0x11b: {  	v4 =	vperm.xlane v3, v0;
	_ =	sdelay $0x1  }
0x11c: {  	v4 =	vadd.s32 v1, v4;
	_ =	sdelay $0x1  }
0x11d: {  	v3 =	vperm.xlane v3, v2;
	_ =	sdelay $0x1  }
0x11e: {  	s11 =	simm.s32 $0x8900;
	v3 =	vadd.s32 v1, v3  }
0x11f: {  	[tilespmem:s11], [sflag:$0x2] =	stream.indirect_vreg.gather [hbm4b:s3+s2], $0x80, v4, vm0, $0xb8;
	[tilespmem:$0x15900] =	vst v63  }
0x120: {  	s12 =	simm.s32 $0x9100  }
0x121: {  	[tilespmem:s12], [sflag:$0x2] =	stream.indirect_vreg.gather [hbm4b:s5+s2], $0x80, v4, vm0, $0xb8;
	[tilespmem:$0x15900] =	vst v63  }
0x122: {  	s11 =	simm.s32 $0x9900  }
0x123: {  	[tilespmem:s11], [sflag:$0x2] =	stream.indirect_vreg.gather [hbm4b:s3+s2], $0x80, v3, vm0, $0xb8;
	[tilespmem:$0x15900] =	vst v63  }
0x124: {  	s12 =	simm.s32 $0xA100  }
0x125: {  	[tilespmem:s12], [sflag:$0x2] =	stream.indirect_vreg.gather [hbm4b:s5+s2], $0x80, v3, vm0, $0xb8;
	[tilespmem:$0x15900] =	vst v63  }
0x126: {  	v3 =	vld.msk [tilespmem:s1+$0x70], $0xff;
	_ =	sdelay $0x4  }
0x127: {  	v63 =	vshll.u32 v3, $0x2  }
0x128: {  	v3 =	vand.u32 $0x7, v3;
	v4 =	vand.u32 $0xFFFFFFE0, v63  }
0x129: {  	v3 =	vor.u32 v3, v4  }
0x12a: {  	v3 =	vperm.xlane v3, v0;
	_ =	sdelay $0x1  }
0x12b: {  	v3 =	vadd.s32 v1, v3;
	_ =	sdelay $0x2  }
.Ltmp3:
0x12c: {  	_ = 	snop;
	(pc) =	sbr.rel .LBB2_2-.Ltmp3, $4  }
0x12d: {  	s11 =	simm.s32 $0xA900  }
0x12e: {  	[tilespmem:s11], [sflag:$0x2] =	stream.indirect_vreg.gather [hbm4b:s3+s2], $0x80, v3, vm0, $0xb8;
	[tilespmem:$0x15900] =	vst v63  }
0x12f: {  	s0 =	sadd.s32 $0x2800, s0;
	s12 =	simm.s32 $0xB100;
	s1 =	sadd.s32 $0xA0, s1  }
0x130: {  	[tilespmem:s12], [sflag:$0x2] =	stream.indirect_vreg.gather [hbm4b:s5+s2], $0x80, v3, vm0, $0xb8;
	[tilespmem:$0x15900] =	vst v63  }
.LBB2_5:
0x131: {  	_ =	sfence.sel $0x180000  }
0x132: {  	[bflag:$0x0] =	sbarrier.arrive $0xFFFF  }
0x133: {  	_ =	strace $0x90000047  }
0x134: {  	s0 =	stileid.u32;
	[bflag:$0x2] =	sbarrier.arrive $0xFFFF  }
0x135: {  	p0 =	sne.s32 s0, $0x0;
	s0 =	rddreg [dreg:$0x2]  }
0x136: {  	s0 =	sadd.s32 @!p0 $0x100000, s0  }
0x137: {  	[sflag:s0] =	ssyncadd.tile.s32 @!p0 $0x1;
	_ =	shalt  }
.Lfunc_end2:
_tile_overlayer_lowered:
.L_overlay_start_2:
0x138: {  	(tag) =	ssettag $0x2  }
0x139: {  	s0 =	rddreg [dreg:$0x0];
	s2 =	stileid.u32  }
0x13a: {  	s1 =	rddreg [dreg:$0x1];
	p0 =	sne.s32 s2, $0x0  }
0x13b: {  	s3 =	rddreg [dreg:$0x2];
	[bflag:$0x3] =	sbarrier.arrive $0xFFFF;
	s2 =	simm.s32 @!p0 $0x1C09  }
0x13c: {  	[timem:s3], [sflag:s2] =	dma.local @!p0 [hbm:s0], s1  }
0x13d: {  	s0 =	simm.s32 @!p0 $0x9  }
0x13e: {  	_ =	swait.ge @!p0 [sflag:s0], s1  }
0x13f: {  	s1 =	ssub.s32 @!p0 $0x0, s1;
	[sflag:s0] =	ssyncset.done @!p0 $0x0  }
0x140: {  	[sflag:s0] =	ssyncadd.s32 @!p0 s1  }
0x141: {  	[bflag:$0x3] =	sbarrier.arrive $0xFFFF  }
0x142: {  	_ =	shalt  }

</sc_bundles>
